<compile_context>
chip_gen: v7x
topology: tpu7x:2x2x1
jax: 0.10.2.dev20260603
libtpu: 0.0.44.dev20260713+nightly
codegen_flags: <defaults>
</compile_context>

<pallas_src>
import functools
from typing import Any

import jax
import jax.numpy as jnp
import numpy as np
from jax.experimental import pallas as pl
from jax.experimental.pallas import tpu as pltpu

B, S, D, H, E, K, FF = 1, 2048, 1024, 16, 8, 2, 2048
DH = D // H
EPS = 1e-5

BM = 256
BN = 512
MOE_BM = 128
NPAD = (K * S // MOE_BM + E) * MOE_BM
N_MOE_BLOCKS = NPAD // MOE_BM


def _ln_qkv_kernel(x_ref, w_ref, wqkv_ref, c_ref, s_ref, o_ref):
    n = pl.program_id(1)
    x = x_ref[...]
    var = jnp.mean(x * x, axis=1, keepdims=True)
    xn = (x * jax.lax.rsqrt(var + EPS) * w_ref[0, :]).astype(jnp.bfloat16)
    h = jnp.dot(xn, wqkv_ref[...], preferred_element_type=jnp.float32)
    @pl.when(n < (2 * D) // BN)
    def _():
        c = c_ref[...]
        sn = s_ref[...]
        half = DH // 2
        pieces = []
        for g in range(BN // DH):
            x1 = h[:, g * DH:g * DH + half]
            x2 = h[:, g * DH + half:(g + 1) * DH]
            pieces.append(x1 * c - x2 * sn)
            pieces.append(x2 * c + x1 * sn)
        o_ref[...] = jnp.concatenate(pieces, axis=1).astype(jnp.bfloat16)

    @pl.when(n >= (2 * D) // BN)
    def _():
        o_ref[...] = h.astype(jnp.bfloat16)


def _ln_qkv(x, ln_w, wqkv, cos, sin):
    return pl.pallas_call(
        _ln_qkv_kernel,
        grid=(S // BM, (3 * D) // BN),
        in_specs=[
            pl.BlockSpec((BM, D), lambda m, n: (m, 0)),
            pl.BlockSpec((1, D), lambda m, n: (0, 0)),
            pl.BlockSpec((D, BN), lambda m, n: (0, n)),
            pl.BlockSpec((BM, DH // 2), lambda m, n: (m, 0)),
            pl.BlockSpec((BM, DH // 2), lambda m, n: (m, 0)),
        ],
        out_specs=pl.BlockSpec((BM, BN), lambda m, n: (m, n)),
        out_shape=jax.ShapeDtypeStruct((S, 3 * D), jnp.bfloat16),
    )(x, ln_w.reshape(1, D), wqkv.astype(jnp.bfloat16), cos, sin)


HG = 4
CK = 512
NC = S // CK


def _attn_kernel(q_ref, k_ref, v_ref, o_ref, acc_ref, m_ref, l_ref):
    qb = pl.program_id(1)
    c = pl.program_id(2)

    @pl.when(c == 0)
    def _init():
        acc_ref[...] = jnp.zeros_like(acc_ref)
        m_ref[...] = jnp.full_like(m_ref, -1e30)
        l_ref[...] = jnp.zeros_like(l_ref)

    @pl.when(c * CK <= qb * BM + BM - 1)
    def _chunk():
        row = qb * BM + jax.lax.broadcasted_iota(jnp.int32, (BM, CK), 0)
        col = c * CK + jax.lax.broadcasted_iota(jnp.int32, (BM, CK), 1)
        causal = col <= row
        for h in range(HG):
            q = q_ref[:, h * DH:(h + 1) * DH]
            k = k_ref[:, h * DH:(h + 1) * DH]
            v = v_ref[:, h * DH:(h + 1) * DH]
            s = jax.lax.dot_general(q, k, (((1,), (1,)), ((), ())),
                                    preferred_element_type=jnp.float32)
            s = jnp.where(causal, s * (1.0 / np.sqrt(DH)), -1e9)
            m_old = m_ref[:, 128 * h:128 * h + 1]
            m_new = jnp.maximum(m_old, jnp.max(s, axis=1, keepdims=True))
            p = jnp.exp(s - m_new)
            corr = jnp.exp(m_old - m_new)
            l_ref[:, 128 * h:128 * h + 1] = (
                l_ref[:, 128 * h:128 * h + 1] * corr
                + jnp.sum(p, axis=1, keepdims=True))
            m_ref[:, 128 * h:128 * h + 1] = m_new
            pv = jnp.dot(p.astype(jnp.bfloat16), v,
                         preferred_element_type=jnp.float32)
            acc_ref[:, DH * h:DH * (h + 1)] = (
                acc_ref[:, DH * h:DH * (h + 1)] * corr + pv)

    @pl.when(c == NC - 1)
    def _fin():
        l = jnp.concatenate(
            [jnp.broadcast_to(l_ref[:, 128 * h:128 * h + 1], (BM, DH))
             for h in range(HG)], axis=1)
        o_ref[...] = (acc_ref[...] / l).astype(jnp.bfloat16)


def _attention(qkv):
    return pl.pallas_call(
        _attn_kernel,
        grid=(H // HG, S // BM, NC),
        in_specs=[
            pl.BlockSpec((BM, HG * DH), lambda hg, qb, c: (qb, hg)),
            pl.BlockSpec((CK, HG * DH), lambda hg, qb, c: (c, H // HG + hg)),
            pl.BlockSpec((CK, HG * DH),
                         lambda hg, qb, c: (c, 2 * (H // HG) + hg)),
        ],
        out_specs=pl.BlockSpec((BM, HG * DH), lambda hg, qb, c: (qb, hg)),
        out_shape=jax.ShapeDtypeStruct((S, D), jnp.bfloat16),
        scratch_shapes=[
            pltpu.VMEM((BM, HG * DH), jnp.float32),
            pltpu.VMEM((BM, HG * 128), jnp.float32),
            pltpu.VMEM((BM, HG * 128), jnp.float32),
        ],
    )(qkv, qkv, qkv)


def _silu(h):
    return h * jax.nn.sigmoid(h)


def _wo_ln_router_kernel(a_ref, wo_ref, r_ref, w_ref, wr_ref,
                         hid_ref, xn_ref, lg_ref):
    hid = jnp.dot(a_ref[...], wo_ref[...],
                  preferred_element_type=jnp.float32) + r_ref[...]
    hid_ref[...] = hid
    var = jnp.mean(hid * hid, axis=1, keepdims=True)
    xn = hid * jax.lax.rsqrt(var + EPS) * w_ref[0, :]
    xn_ref[...] = xn
    lg_ref[...] = jnp.dot(xn, wr_ref[...], preferred_element_type=jnp.float32)


def _wo_ln_router(a, wo, res, ln_w, wr_pad):
    return pl.pallas_call(
        _wo_ln_router_kernel,
        grid=(S // BM,),
        in_specs=[
            pl.BlockSpec((BM, D), lambda m: (m, 0)),
            pl.BlockSpec((D, D), lambda m: (0, 0)),
            pl.BlockSpec((BM, D), lambda m: (m, 0)),
            pl.BlockSpec((1, D), lambda m: (0, 0)),
            pl.BlockSpec((D, 128), lambda m: (0, 0)),
        ],
        out_specs=[
            pl.BlockSpec((BM, D), lambda m: (m, 0)),
            pl.BlockSpec((BM, D), lambda m: (m, 0)),
            pl.BlockSpec((BM, 128), lambda m: (m, 0)),
        ],
        out_shape=[
            jax.ShapeDtypeStruct((S, D), jnp.float32),
            jax.ShapeDtypeStruct((S, D), jnp.float32),
            jax.ShapeDtypeStruct((S, 128), jnp.float32),
        ],
    )(a, wo, res, ln_w.reshape(1, D), wr_pad)


def _moe1_kernel(e_ref, x_ref, w1_ref, w3_ref, g_ref, o_ref):
    del e_ref
    x = x_ref[...]
    h1 = jnp.dot(x, w1_ref[0], preferred_element_type=jnp.float32)
    h3 = jnp.dot(x, w3_ref[0], preferred_element_type=jnp.float32)
    gate = g_ref[0, 0, :]
    o_ref[...] = (_silu(h1) * h3 * gate[:, None]).astype(jnp.bfloat16)


def _moe_stage1(block_e, x_pad, w1, w3, gate_r):
    grid_spec = pltpu.PrefetchScalarGridSpec(
        num_scalar_prefetch=1,
        grid=(FF // BN, N_MOE_BLOCKS),
        in_specs=[
            pl.BlockSpec((MOE_BM, D), lambda n, i, e: (i, 0)),
            pl.BlockSpec((1, D, BN), lambda n, i, e: (e[i], 0, n)),
            pl.BlockSpec((1, D, BN), lambda n, i, e: (e[i], 0, n)),
            pl.BlockSpec((1, 1, MOE_BM), lambda n, i, e: (i, 0, 0)),
        ],
        out_specs=pl.BlockSpec((MOE_BM, BN), lambda n, i, e: (i, n)),
    )
    return pl.pallas_call(
        _moe1_kernel,
        grid_spec=grid_spec,
        out_shape=jax.ShapeDtypeStruct((NPAD, FF), jnp.bfloat16),
    )(block_e, x_pad, w1, w3, gate_r)


def _moe2_kernel(e_ref, a_ref, w2_ref, o_ref):
    del e_ref
    o_ref[...] = jnp.dot(a_ref[...], w2_ref[0],
                         preferred_element_type=jnp.float32)


def _moe_stage2(block_e, act, w2):
    grid_spec = pltpu.PrefetchScalarGridSpec(
        num_scalar_prefetch=1,
        grid=(D // BN, N_MOE_BLOCKS),
        in_specs=[
            pl.BlockSpec((MOE_BM, FF), lambda n, i, e: (i, 0)),
            pl.BlockSpec((1, FF, BN), lambda n, i, e: (e[i], 0, n)),
        ],
        out_specs=pl.BlockSpec((MOE_BM, BN), lambda n, i, e: (i, n)),
    )
    return pl.pallas_call(
        _moe2_kernel,
        grid_spec=grid_spec,
        out_shape=jax.ShapeDtypeStruct((NPAD, D), jnp.float32),
    )(block_e, act, w2)


def _rope_tables():
    half = DH // 2
    inv = 1.0 / (10000.0 ** (np.arange(half, dtype=np.float32) / half))
    t = np.arange(S, dtype=np.float32)[:, None] * inv[None, :]
    return jnp.asarray(np.cos(t)), jnp.asarray(np.sin(t))


def _apply_rope(x, cos, sin):
    xh = x.reshape(S, H, DH)
    half = DH // 2
    x1, x2 = xh[..., :half], xh[..., half:]
    c = cos[:, None, :]
    s = sin[:, None, :]
    out = jnp.concatenate([x1 * c - x2 * s, x2 * c + x1 * s], axis=-1)
    return out.reshape(S, D)


def kernel(hidden_states, sequence_mask, load_balancing_loss, ln1_w, ln2_w,
           Wq, Wk, Wv, Wo, Wr, W1, W3, W2):
    x0 = hidden_states.reshape(S, D)
    bf = jnp.bfloat16

    wqkv = jnp.concatenate([Wq, Wk, Wv], axis=1)
    cos, sin = _rope_tables()
    qkv = _ln_qkv(x0, ln1_w, wqkv, cos, sin)
    attn = _attention(qkv)
    wr_pad = jnp.zeros((D, 128), jnp.float32).at[:, :E].set(Wr)
    hidden, x2, logits_pad = _wo_ln_router(
        attn, Wo.astype(bf), x0, ln2_w, wr_pad)
    logits = logits_pad[:, :E]
    probs = jax.nn.softmax(logits, axis=-1)
    topv, topi = jax.lax.top_k(probs, K)
    topvn = topv / jnp.sum(topv, axis=-1, keepdims=True)

    assign = jax.nn.one_hot(topi, E, dtype=jnp.float32).sum(axis=1)
    f = jnp.mean(assign, axis=0)
    P = jnp.mean(probs, axis=0)
    lbl = E * jnp.sum(f * P) / K

    T = S
    e_flat = topi.reshape(-1)
    gate_flat = topvn.reshape(-1)
    tok_flat = jnp.arange(T * K, dtype=jnp.int32) // K
    onehot = jax.nn.one_hot(e_flat, E, dtype=jnp.int32)
    cum = jnp.cumsum(onehot, axis=0)
    cnt = cum[-1]
    rank = jnp.take_along_axis(cum, e_flat[:, None], axis=1)[:, 0] - 1
    padded_cnt = ((cnt + MOE_BM - 1) // MOE_BM) * MOE_BM
    pstart = jnp.concatenate(
        [jnp.zeros((1,), jnp.int32), jnp.cumsum(padded_cnt)[:-1]])
    dest = pstart[e_flat] + rank
    tok_pad = jnp.zeros((NPAD,), jnp.int32).at[dest].set(tok_flat)
    gate_pad = jnp.zeros((NPAD,), jnp.float32).at[dest].set(gate_flat)
    block_e = (jnp.searchsorted(
        pstart, jnp.arange(N_MOE_BLOCKS, dtype=jnp.int32) * MOE_BM,
        side='right') - 1).astype(jnp.int32)

    x_pad = x2[tok_pad].astype(bf)
    gate_r = gate_pad.reshape(N_MOE_BLOCKS, 1, MOE_BM)
    act = _moe_stage1(block_e, x_pad, W1.astype(bf), W3.astype(bf), gate_r)
    y_pad = _moe_stage2(block_e, act, W2.astype(bf))

    inv2 = dest.reshape(T, K)
    out = y_pad[inv2[:, 0]] + y_pad[inv2[:, 1]] + hidden

    return (out.reshape(B, S, D), sequence_mask,
            load_balancing_loss + lbl.reshape(load_balancing_loss.shape))

# --- scband reference (transcript-rebuilt; emitter-appended) ---
"""Pipeline reference for scband-lla-moe-block-48318382080220 (READ-ONLY COPY).

The authoritative reference and input builder live on the scoring server;
editing this copy changes nothing except your own understanding.
"""

import jax, jax.numpy as jnp
import numpy as np

B, S, D, H, E, K, FF = 1, 2048, 1024, 16, 8, 2, 2048
DH = D // H
EPS = 1e-5

def setup_inputs(seed: int = 0):
    key = jax.random.key(seed)
    ks = jax.random.split(key, 10)
    inp = {}
    inp['hidden_states'] = jax.random.normal(ks[0], (B, S, D), dtype=jnp.float32)
    inp['sequence_mask'] = jnp.ones((B, S), dtype=bool)
    inp['load_balancing_loss'] = jnp.zeros((1,), dtype=jnp.float32)
    inp['ln1_w'] = jnp.ones((D,), dtype=jnp.float32)
    inp['ln2_w'] = jnp.ones((D,), dtype=jnp.float32)
    inp['Wq'] = jax.random.normal(ks[1], (D, D), dtype=jnp.float32) * 0.02
    inp['Wk'] = jax.random.normal(ks[2], (D, D), dtype=jnp.float32) * 0.02
    inp['Wv'] = jax.random.normal(ks[3], (D, D), dtype=jnp.float32) * 0.02
    inp['Wo'] = jax.random.normal(ks[4], (D, D), dtype=jnp.float32) * 0.02
    inp['Wr'] = jax.random.normal(ks[5], (D, E), dtype=jnp.float32) * 0.02
    inp['W1'] = jax.random.normal(ks[6], (E, D, FF), dtype=jnp.float32) * 0.02
    inp['W3'] = jax.random.normal(ks[7], (E, D, FF), dtype=jnp.float32) * 0.02
    inp['W2'] = jax.random.normal(ks[8], (E, FF, D), dtype=jnp.float32) * 0.02
    return inp

def _rms_norm(x, w):
    v = jnp.mean(x * x, axis=-1, keepdims=True)
    return x * jax.lax.rsqrt(v + EPS) * w

def _rope(x):
    half = DH // 2
    inv = 1.0 / (10000.0 ** (jnp.arange(half, dtype=jnp.float32) / half))
    t = jnp.arange(x.shape[1], dtype=jnp.float32)[:, None] * inv[None, :]
    cos = jnp.cos(t)[None, :, None, :]
    sin = jnp.sin(t)[None, :, None, :]
    x1, x2 = x[..., :half], x[..., half:]
    return jnp.concatenate([x1 * cos - x2 * sin, x2 * cos + x1 * sin], axis=-1)

def _block(hidden_states, sequence_mask, ln1_w, Wq, Wk, Wv, Wo, ln2_w, Wr, W1, W3, W2):
    residual = hidden_states
    x = _rms_norm(hidden_states, ln1_w)
    q = _rope((x @ Wq).reshape(B, S, H, DH))
    k = _rope((x @ Wk).reshape(B, S, H, DH))
    v = (x @ Wv).reshape(B, S, H, DH)
    scores = jnp.einsum('bqhd,bkhd->bhqk', q, k) / np.sqrt(DH)
    causal = jnp.tril(jnp.ones((S, S), dtype=bool))
    mask = causal[None, None, :, :] & sequence_mask[:, None, None, :]
    scores = jnp.where(mask, scores, -1e9)
    p = jax.nn.softmax(scores, axis=-1)
    attn = jnp.einsum('bhqk,bkhd->bqhd', p, v).reshape(B, S, D) @ Wo
    hidden = attn + residual
    residual = hidden
    x = _rms_norm(hidden, ln2_w)
    t = x.reshape(-1, D)
    T = t.shape[0]
    logits = t @ Wr
    probs = jax.nn.softmax(logits, axis=-1)
    topv, topi = jax.lax.top_k(probs, K)
    topv = topv / jnp.sum(topv, axis=-1, keepdims=True)
    gates = jnp.zeros((T, E), dtype=jnp.float32).at[jnp.arange(T)[:, None], topi].set(topv)
    h1 = jnp.einsum('td,edf->tef', t, W1)
    h3 = jnp.einsum('td,edf->tef', t, W3)
    act = jax.nn.silu(h1) * h3
    y = jnp.einsum('tef,efd->ted', act, W2)
    moe_out = jnp.einsum('ted,te->td', y, gates).reshape(B, S, D)
    assign = jax.nn.one_hot(topi, E, dtype=jnp.float32).sum(axis=1)
    f = jnp.mean(assign, axis=0)
    P = jnp.mean(probs, axis=0)
    lbl = E * jnp.sum(f * P) / K
    hidden = moe_out + residual
    return hidden, lbl

def reference(hidden_states, sequence_mask, load_balancing_loss, ln1_w, ln2_w, Wq, Wk, Wv, Wo, Wr, W1, W3, W2):
    out, lbl = _block(hidden_states, sequence_mask, ln1_w, Wq, Wk, Wv, Wo, ln2_w, Wr, W1, W3, W2)
    return out, sequence_mask, load_balancing_loss + lbl

if __name__ == "__main__":
    import jax
    _d = setup_inputs()
    print(jax.jit(kernel)(*tuple(_d.values())))

</pallas_src>

<mosaic_0001>
module attributes {stable_mosaic.version = 14 : i64} {
  func.func @_ln_qkv_kernel(%arg0: i32, %arg1: i32, %arg2: memref<256x1024xf32, #tpu.memory_space<vmem>>, %arg3: memref<1x1024xf32, #tpu.memory_space<vmem>>, %arg4: memref<1024x512xbf16, #tpu.memory_space<vmem>>, %arg5: memref<256x32xf32, #tpu.memory_space<vmem>>, %arg6: memref<256x32xf32, #tpu.memory_space<vmem>>, %arg7: memref<256x512xbf16, #tpu.memory_space<vmem>>) attributes {dimension_semantics = [#tpu.dimension_semantics<arbitrary>, #tpu.dimension_semantics<arbitrary>], iteration_bounds = array<i64: 8, 6>, scalar_prefetch = 0 : i64, scratch_operands = 0 : i64, tpu.core_type = #tpu.core_type<tc>, window_params = [{transform_indices = @transform_0, window_bounds = array<i64: 256, 1024>}, {pipeline_mode = #tpu.pipeline_mode<synchronous>, transform_indices = @transform_1, window_bounds = array<i64: 1, 1024>}, {transform_indices = @transform_2, window_bounds = array<i64: 1024, 512>}, {transform_indices = @transform_3, window_bounds = array<i64: 256, 32>}, {transform_indices = @transform_4, window_bounds = array<i64: 256, 32>}, {transform_indices = @transform_5, window_bounds = array<i64: 256, 512>}]} {
    %get3A = arith.constant 0 : index
    %get3A_0 = arith.constant 0 : index
    %get3A_1 = vector.load %arg2[%get3A, %get3A_0] : memref<256x1024xf32, #tpu.memory_space<vmem>>, vector<256x1024xf32>
    %mul3A = arith.mulf %get3A_1, %get3A_1 : vector<256x1024xf32>
    %reduce_sum3A = arith.constant dense<0.000000e+00> : vector<256xf32>
    %reduce_sum3A_2 = vector.multi_reduction <add>, %mul3A, %reduce_sum3A [1] : vector<256x1024xf32> to vector<256xf32>
    %broadcast_in_dim3A = vector.shape_cast %reduce_sum3A_2 : vector<256xf32> to vector<256x1xf32>
    %div3A = arith.constant 1.024000e+03 : f32
    %div3A_3 = vector.broadcast %div3A : f32 to vector<256x1xf32>
    %div3A_4 = arith.divf %broadcast_in_dim3A, %div3A_3 : vector<256x1xf32>
    %add3A = arith.constant 9.99999974E-6 : f32
    %add3A_5 = vector.broadcast %add3A : f32 to vector<256x1xf32>
    %add3A_6 = arith.addf %div3A_4, %add3A_5 : vector<256x1xf32>
    %rsqrt3A = math.rsqrt %add3A_6 : vector<256x1xf32>
    %mul3A_7 = vector.broadcast %rsqrt3A : vector<256x1xf32> to vector<256x1024xf32>
    %mul3A_8 = arith.mulf %get3A_1, %mul3A_7 : vector<256x1024xf32>
    %get3A_9 = arith.constant 0 : index
    %get3A_10 = arith.constant 0 : index
    %get3A_11 = vector.load %arg3[%get3A_9, %get3A_10] : memref<1x1024xf32, #tpu.memory_space<vmem>>, vector<1x1024xf32>
    %get3A_12 = vector.shape_cast %get3A_11 : vector<1x1024xf32> to vector<1024xf32>
    %broadcast_in_dim3A_13 = vector.shape_cast %get3A_12 : vector<1024xf32> to vector<1x1024xf32>
    %mul3A_14 = vector.broadcast %broadcast_in_dim3A_13 : vector<1x1024xf32> to vector<256x1024xf32>
    %mul3A_15 = arith.mulf %mul3A_8, %mul3A_14 : vector<256x1024xf32>
    %convert_element_type3A = arith.truncf %mul3A_15 : vector<256x1024xf32> to vector<256x1024xbf16>
    %get3A_16 = arith.constant 0 : index
    %get3A_17 = arith.constant 0 : index
    %get3A_18 = vector.load %arg4[%get3A_16, %get3A_17] : memref<1024x512xbf16, #tpu.memory_space<vmem>>, vector<1024x512xbf16>
    %dot_general3A = arith.constant dense<0.000000e+00> : vector<256x512xf32>
    %dot_general3A_19 = tpu.matmul %convert_element_type3A, %get3A_18, %dot_general3A {dimension_numbers = #tpu.dot_dimension_numbers<[1], [0], [0], [1], [0, 0, 1, 1], [], []>, transpose_lhs_hint = false} : vector<256x1024xbf16>, vector<1024x512xbf16>, vector<256x512xf32> -> vector<256x512xf32>
    %lt3A = arith.constant 4 : i32
    %lt3A_20 = arith.cmpi slt, %arg1, %lt3A : i32
    %convert_element_type3A_21 = arith.extui %lt3A_20 : i1 to i32
    %cond3A = arith.constant 0 : i32
    %cond3A_22 = arith.cmpi ne, %convert_element_type3A_21, %cond3A : i32
    scf.if %cond3A_22 {
      %get3A_27 = arith.constant 0 : index
      %get3A_28 = arith.constant 0 : index
      %get3A_29 = vector.load %arg5[%get3A_27, %get3A_28] : memref<256x32xf32, #tpu.memory_space<vmem>>, vector<256x32xf32>
      %get3A_30 = arith.constant 0 : index
      %get3A_31 = arith.constant 0 : index
      %get3A_32 = vector.load %arg6[%get3A_30, %get3A_31] : memref<256x32xf32, #tpu.memory_space<vmem>>, vector<256x32xf32>
      %slice3A = vector.extract_strided_slice %dot_general3A_19 {offsets = [0, 0], sizes = [256, 32], strides = [1, 1]} : vector<256x512xf32> to vector<256x32xf32>
      %slice3A_33 = vector.extract_strided_slice %dot_general3A_19 {offsets = [0, 32], sizes = [256, 32], strides = [1, 1]} : vector<256x512xf32> to vector<256x32xf32>
      %mul3A_34 = arith.mulf %slice3A, %get3A_29 : vector<256x32xf32>
      %mul3A_35 = arith.mulf %slice3A_33, %get3A_32 : vector<256x32xf32>
      %sub3A = arith.subf %mul3A_34, %mul3A_35 : vector<256x32xf32>
      %mul3A_36 = arith.mulf %slice3A_33, %get3A_29 : vector<256x32xf32>
      %mul3A_37 = arith.mulf %slice3A, %get3A_32 : vector<256x32xf32>
      %add3A_38 = arith.addf %mul3A_36, %mul3A_37 : vector<256x32xf32>
      %slice3A_39 = vector.extract_strided_slice %dot_general3A_19 {offsets = [0, 64], sizes = [256, 32], strides = [1, 1]} : vector<256x512xf32> to vector<256x32xf32>
      %slice3A_40 = vector.extract_strided_slice %dot_general3A_19 {offsets = [0, 96], sizes = [256, 32], strides = [1, 1]} : vector<256x512xf32> to vector<256x32xf32>
      %mul3A_41 = arith.mulf %slice3A_39, %get3A_29 : vector<256x32xf32>
      %mul3A_42 = arith.mulf %slice3A_40, %get3A_32 : vector<256x32xf32>
      %sub3A_43 = arith.subf %mul3A_41, %mul3A_42 : vector<256x32xf32>
      %mul3A_44 = arith.mulf %slice3A_40, %get3A_29 : vector<256x32xf32>
      %mul3A_45 = arith.mulf %slice3A_39, %get3A_32 : vector<256x32xf32>
      %add3A_46 = arith.addf %mul3A_44, %mul3A_45 : vector<256x32xf32>
      %slice3A_47 = vector.extract_strided_slice %dot_general3A_19 {offsets = [0, 128], sizes = [256, 32], strides = [1, 1]} : vector<256x512xf32> to vector<256x32xf32>
      %slice3A_48 = vector.extract_strided_slice %dot_general3A_19 {offsets = [0, 160], sizes = [256, 32], strides = [1, 1]} : vector<256x512xf32> to vector<256x32xf32>
      %mul3A_49 = arith.mulf %slice3A_47, %get3A_29 : vector<256x32xf32>
      %mul3A_50 = arith.mulf %slice3A_48, %get3A_32 : vector<256x32xf32>
      %sub3A_51 = arith.subf %mul3A_49, %mul3A_50 : vector<256x32xf32>
      %mul3A_52 = arith.mulf %slice3A_48, %get3A_29 : vector<256x32xf32>
      %mul3A_53 = arith.mulf %slice3A_47, %get3A_32 : vector<256x32xf32>
      %add3A_54 = arith.addf %mul3A_52, %mul3A_53 : vector<256x32xf32>
      %slice3A_55 = vector.extract_strided_slice %dot_general3A_19 {offsets = [0, 192], sizes = [256, 32], strides = [1, 1]} : vector<256x512xf32> to vector<256x32xf32>
      %slice3A_56 = vector.extract_strided_slice %dot_general3A_19 {offsets = [0, 224], sizes = [256, 32], strides = [1, 1]} : vector<256x512xf32> to vector<256x32xf32>
      %mul3A_57 = arith.mulf %slice3A_55, %get3A_29 : vector<256x32xf32>
      %mul3A_58 = arith.mulf %slice3A_56, %get3A_32 : vector<256x32xf32>
      %sub3A_59 = arith.subf %mul3A_57, %mul3A_58 : vector<256x32xf32>
      %mul3A_60 = arith.mulf %slice3A_56, %get3A_29 : vector<256x32xf32>
      %mul3A_61 = arith.mulf %slice3A_55, %get3A_32 : vector<256x32xf32>
      %add3A_62 = arith.addf %mul3A_60, %mul3A_61 : vector<256x32xf32>
      %slice3A_63 = vector.extract_strided_slice %dot_general3A_19 {offsets = [0, 256], sizes = [256, 32], strides = [1, 1]} : vector<256x512xf32> to vector<256x32xf32>
      %slice3A_64 = vector.extract_strided_slice %dot_general3A_19 {offsets = [0, 288], sizes = [256, 32], strides = [1, 1]} : vector<256x512xf32> to vector<256x32xf32>
      %mul3A_65 = arith.mulf %slice3A_63, %get3A_29 : vector<256x32xf32>
      %mul3A_66 = arith.mulf %slice3A_64, %get3A_32 : vector<256x32xf32>
      %sub3A_67 = arith.subf %mul3A_65, %mul3A_66 : vector<256x32xf32>
      %mul3A_68 = arith.mulf %slice3A_64, %get3A_29 : vector<256x32xf32>
      %mul3A_69 = arith.mulf %slice3A_63, %get3A_32 : vector<256x32xf32>
      %add3A_70 = arith.addf %mul3A_68, %mul3A_69 : vector<256x32xf32>
      %slice3A_71 = vector.extract_strided_slice %dot_general3A_19 {offsets = [0, 320], sizes = [256, 32], strides = [1, 1]} : vector<256x512xf32> to vector<256x32xf32>
      %slice3A_72 = vector.extract_strided_slice %dot_general3A_19 {offsets = [0, 352], sizes = [256, 32], strides = [1, 1]} : vector<256x512xf32> to vector<256x32xf32>
      %mul3A_73 = arith.mulf %slice3A_71, %get3A_29 : vector<256x32xf32>
      %mul3A_74 = arith.mulf %slice3A_72, %get3A_32 : vector<256x32xf32>
      %sub3A_75 = arith.subf %mul3A_73, %mul3A_74 : vector<256x32xf32>
      %mul3A_76 = arith.mulf %slice3A_72, %get3A_29 : vector<256x32xf32>
      %mul3A_77 = arith.mulf %slice3A_71, %get3A_32 : vector<256x32xf32>
      %add3A_78 = arith.addf %mul3A_76, %mul3A_77 : vector<256x32xf32>
      %slice3A_79 = vector.extract_strided_slice %dot_general3A_19 {offsets = [0, 384], sizes = [256, 32], strides = [1, 1]} : vector<256x512xf32> to vector<256x32xf32>
      %slice3A_80 = vector.extract_strided_slice %dot_general3A_19 {offsets = [0, 416], sizes = [256, 32], strides = [1, 1]} : vector<256x512xf32> to vector<256x32xf32>
      %mul3A_81 = arith.mulf %slice3A_79, %get3A_29 : vector<256x32xf32>
      %mul3A_82 = arith.mulf %slice3A_80, %get3A_32 : vector<256x32xf32>
      %sub3A_83 = arith.subf %mul3A_81, %mul3A_82 : vector<256x32xf32>
      %mul3A_84 = arith.mulf %slice3A_80, %get3A_29 : vector<256x32xf32>
      %mul3A_85 = arith.mulf %slice3A_79, %get3A_32 : vector<256x32xf32>
      %add3A_86 = arith.addf %mul3A_84, %mul3A_85 : vector<256x32xf32>
      %slice3A_87 = vector.extract_strided_slice %dot_general3A_19 {offsets = [0, 448], sizes = [256, 32], strides = [1, 1]} : vector<256x512xf32> to vector<256x32xf32>
      %slice3A_88 = vector.extract_strided_slice %dot_general3A_19 {offsets = [0, 480], sizes = [256, 32], strides = [1, 1]} : vector<256x512xf32> to vector<256x32xf32>
      %mul3A_89 = arith.mulf %slice3A_87, %get3A_29 : vector<256x32xf32>
      %mul3A_90 = arith.mulf %slice3A_88, %get3A_32 : vector<256x32xf32>
      %sub3A_91 = arith.subf %mul3A_89, %mul3A_90 : vector<256x32xf32>
      %mul3A_92 = arith.mulf %slice3A_88, %get3A_29 : vector<256x32xf32>
      %mul3A_93 = arith.mulf %slice3A_87, %get3A_32 : vector<256x32xf32>
      %add3A_94 = arith.addf %mul3A_92, %mul3A_93 : vector<256x32xf32>
      %concatenate3A = tpu.concatenate %sub3A, %add3A_38, %sub3A_43, %add3A_46, %sub3A_51, %add3A_54, %sub3A_59, %add3A_62, %sub3A_67, %add3A_70, %sub3A_75, %add3A_78, %sub3A_83, %add3A_86, %sub3A_91, %add3A_94 in 1 : vector<256x32xf32>, vector<256x32xf32>, vector<256x32xf32>, vector<256x32xf32>, vector<256x32xf32>, vector<256x32xf32>, vector<256x32xf32>, vector<256x32xf32>, vector<256x32xf32>, vector<256x32xf32>, vector<256x32xf32>, vector<256x32xf32>, vector<256x32xf32>, vector<256x32xf32>, vector<256x32xf32>, vector<256x32xf32> -> vector<256x512xf32>
      %convert_element_type3A_95 = arith.truncf %concatenate3A : vector<256x512xf32> to vector<256x512xbf16>
      %swap3A = arith.constant 0 : index
      %swap3A_96 = arith.constant 0 : index
      %swap3A_97 = vector.load %arg7[%swap3A, %swap3A_96] : memref<256x512xbf16, #tpu.memory_space<vmem>>, vector<256x512xbf16>
      tpu.vector_store %arg7[%swap3A, %swap3A_96], %convert_element_type3A_95 {strides = array<i32>} : memref<256x512xbf16, #tpu.memory_space<vmem>>, vector<256x512xbf16>,
    } else {
    }
    %ge3A = arith.constant 4 : i32
    %ge3A_23 = arith.cmpi sge, %arg1, %ge3A : i32
    %convert_element_type3A_24 = arith.extui %ge3A_23 : i1 to i32
    %cond3A_25 = arith.constant 0 : i32
    %cond3A_26 = arith.cmpi ne, %convert_element_type3A_24, %cond3A_25 : i32
    scf.if %cond3A_26 {
      %convert_element_type3A_27 = arith.truncf %dot_general3A_19 : vector<256x512xf32> to vector<256x512xbf16>
      %swap3A = arith.constant 0 : index
      %swap3A_28 = arith.constant 0 : index
      %swap3A_29 = vector.load %arg7[%swap3A, %swap3A_28] : memref<256x512xbf16, #tpu.memory_space<vmem>>, vector<256x512xbf16>
      tpu.vector_store %arg7[%swap3A, %swap3A_28], %convert_element_type3A_27 {strides = array<i32>} : memref<256x512xbf16, #tpu.memory_space<vmem>>, vector<256x512xbf16>,
    } else {
    }
    return
  }
  func.func @transform_0(%arg0: i32, %arg1: i32) -> (i32, i32) {
    %c0_i32 = arith.constant 0 : i32
    %c0_i32_0 = arith.constant 0 : i32
    return %arg0, %c0_i32 : i32, i32
  }
  func.func @transform_1(%arg0: i32, %arg1: i32) -> (i32, i32) {
    %c0_i32 = arith.constant 0 : i32
    %c0_i32_0 = arith.constant 0 : i32
    %c0_i32_1 = arith.constant 0 : i32
    return %c0_i32, %c0_i32_0 : i32, i32
  }
  func.func @transform_2(%arg0: i32, %arg1: i32) -> (i32, i32) {
    %c0_i32 = arith.constant 0 : i32
    %c0_i32_0 = arith.constant 0 : i32
    return %c0_i32, %arg1 : i32, i32
  }
  func.func @transform_3(%arg0: i32, %arg1: i32) -> (i32, i32) {
    %c0_i32 = arith.constant 0 : i32
    %c0_i32_0 = arith.constant 0 : i32
    return %arg0, %c0_i32 : i32, i32
  }
  func.func @transform_4(%arg0: i32, %arg1: i32) -> (i32, i32) {
    %c0_i32 = arith.constant 0 : i32
    %c0_i32_0 = arith.constant 0 : i32
    return %arg0, %c0_i32 : i32, i32
  }
  func.func @transform_5(%arg0: i32, %arg1: i32) -> (i32, i32) {
    %c0_i32 = arith.constant 0 : i32
    return %arg0, %arg1 : i32, i32
  }
}

module attributes {stable_mosaic.version = 14 : i64} {
  func.func @_attn_kernel(%arg0: i32, %arg1: i32, %arg2: i32, %arg3: memref<256x256xbf16, #tpu.memory_space<vmem>>, %arg4: memref<512x256xbf16, #tpu.memory_space<vmem>>, %arg5: memref<512x256xbf16, #tpu.memory_space<vmem>>, %arg6: memref<256x256xbf16, #tpu.memory_space<vmem>>, %arg7: memref<256x256xf32, #tpu.memory_space<vmem>>, %arg8: memref<256x512xf32, #tpu.memory_space<vmem>>, %arg9: memref<256x512xf32, #tpu.memory_space<vmem>>) attributes {dimension_semantics = [#tpu.dimension_semantics<arbitrary>, #tpu.dimension_semantics<arbitrary>, #tpu.dimension_semantics<arbitrary>], iteration_bounds = array<i64: 4, 8, 4>, scalar_prefetch = 0 : i64, scratch_operands = 3 : i64, tpu.core_type = #tpu.core_type<tc>, window_params = [{transform_indices = @transform_0, window_bounds = array<i64: 256, 256>}, {transform_indices = @transform_1, window_bounds = array<i64: 512, 256>}, {transform_indices = @transform_2, window_bounds = array<i64: 512, 256>}, {transform_indices = @transform_3, window_bounds = array<i64: 256, 256>}]} {
    %eq3A = arith.constant 0 : i32
    %eq3A_0 = arith.cmpi eq, %arg2, %eq3A : i32
    %convert_element_type3A = arith.extui %eq3A_0 : i1 to i32
    %cond3A = arith.constant 0 : i32
    %cond3A_1 = arith.cmpi ne, %convert_element_type3A, %cond3A : i32
    scf.if %cond3A_1 {
      %broadcast_in_dim3A = arith.constant 0.000000e+00 : f32
      %broadcast_in_dim3A_15 = vector.broadcast %broadcast_in_dim3A : f32 to vector<256x256xf32>
      %swap3A = arith.constant 0 : index
      %swap3A_16 = arith.constant 0 : index
      %swap3A_17 = vector.load %arg7[%swap3A, %swap3A_16] : memref<256x256xf32, #tpu.memory_space<vmem>>, vector<256x256xf32>
      tpu.vector_store %arg7[%swap3A, %swap3A_16], %broadcast_in_dim3A_15 {strides = array<i32>} : memref<256x256xf32, #tpu.memory_space<vmem>>, vector<256x256xf32>,
      %broadcast_in_dim3A_18 = arith.constant -1.000000e+30 : f32
      %broadcast_in_dim3A_19 = vector.broadcast %broadcast_in_dim3A_18 : f32 to vector<256x512xf32>
      %swap3A_20 = arith.constant 0 : index
      %swap3A_21 = arith.constant 0 : index
      %swap3A_22 = vector.load %arg8[%swap3A_20, %swap3A_21] : memref<256x512xf32, #tpu.memory_space<vmem>>, vector<256x512xf32>
      tpu.vector_store %arg8[%swap3A_20, %swap3A_21], %broadcast_in_dim3A_19 {strides = array<i32>} : memref<256x512xf32, #tpu.memory_space<vmem>>, vector<256x512xf32>,
      %broadcast_in_dim3A_23 = arith.constant 0.000000e+00 : f32
      %broadcast_in_dim3A_24 = vector.broadcast %broadcast_in_dim3A_23 : f32 to vector<256x512xf32>
      %swap3A_25 = arith.constant 0 : index
      %swap3A_26 = arith.constant 0 : index
      %swap3A_27 = vector.load %arg9[%swap3A_25, %swap3A_26] : memref<256x512xf32, #tpu.memory_space<vmem>>, vector<256x512xf32>
      tpu.vector_store %arg9[%swap3A_25, %swap3A_26], %broadcast_in_dim3A_24 {strides = array<i32>} : memref<256x512xf32, #tpu.memory_space<vmem>>, vector<256x512xf32>,
    } else {
    }
    %mul3A = arith.constant 512 : i32
    %mul3A_2 = arith.muli %arg2, %mul3A : i32
    %mul3A_3 = arith.constant 256 : i32
    %mul3A_4 = arith.muli %arg1, %mul3A_3 : i32
    %add3A = arith.constant 256 : i32
    %add3A_5 = arith.addi %mul3A_4, %add3A : i32
    %sub3A = arith.constant 1 : i32
    %sub3A_6 = arith.subi %add3A_5, %sub3A : i32
    %le3A = arith.cmpi sle, %mul3A_2, %sub3A_6 : i32
    %convert_element_type3A_7 = arith.extui %le3A : i1 to i32
    %cond3A_8 = arith.constant 0 : i32
    %cond3A_9 = arith.cmpi ne, %convert_element_type3A_7, %cond3A_8 : i32
    scf.if %cond3A_9 {
      %mul3A_15 = arith.constant 256 : i32
      %mul3A_16 = arith.muli %arg1, %mul3A_15 : i32
      %iota3A = tpu.iota {dimensions = array<i32: 0>} : vector<256x512xi32>
      %add3A_17 = vector.broadcast %mul3A_16 : i32 to vector<256x512xi32>
      %add3A_18 = arith.addi %add3A_17, %iota3A : vector<256x512xi32>
      %mul3A_19 = arith.constant 512 : i32
      %mul3A_20 = arith.muli %arg2, %mul3A_19 : i32
      %iota3A_21 = tpu.iota {dimensions = array<i32: 1>} : vector<256x512xi32>
      %add3A_22 = vector.broadcast %mul3A_20 : i32 to vector<256x512xi32>
      %add3A_23 = arith.addi %add3A_22, %iota3A_21 : vector<256x512xi32>
      %le3A_24 = arith.cmpi sle, %add3A_23, %add3A_18 : vector<256x512xi32>
      %get3A = arith.constant 0 : index
      %get3A_25 = arith.constant 0 : index
      %get3A_26 = vector.load %arg3[%get3A, %get3A_25] : memref<256x256xbf16, #tpu.memory_space<vmem>>, vector<256x64xbf16>
      %get3A_27 = arith.constant 0 : index
      %get3A_28 = arith.constant 0 : index
      %get3A_29 = vector.load %arg4[%get3A_27, %get3A_28] : memref<512x256xbf16, #tpu.memory_space<vmem>>, vector<512x64xbf16>
      %get3A_30 = arith.constant 0 : index
      %get3A_31 = arith.constant 0 : index
      %get3A_32 = vector.load %arg5[%get3A_30, %get3A_31] : memref<512x256xbf16, #tpu.memory_space<vmem>>, vector<512x64xbf16>
      %dot_general3A = arith.constant dense<0.000000e+00> : vector<256x512xf32>
      %dot_general3A_33 = tpu.matmul %get3A_26, %get3A_29, %dot_general3A {dimension_numbers = #tpu.dot_dimension_numbers<[1], [1], [0], [0], [0, 0, 1, 0], [], []>, transpose_lhs_hint = false} : vector<256x64xbf16>, vector<512x64xbf16>, vector<256x512xf32> -> vector<256x512xf32>
      %mul3A_34 = arith.constant 1.250000e-01 : f32
      %mul3A_35 = vector.broadcast %mul3A_34 : f32 to vector<256x512xf32>
      %mul3A_36 = arith.mulf %dot_general3A_33, %mul3A_35 : vector<256x512xf32>
      %jit3A = arith.constant -1.000000e+09 : f32
      %broadcast_in_dim3A = vector.broadcast %jit3A : f32 to vector<256x512xf32>
      %select_n3A = arith.select %le3A_24, %mul3A_36, %broadcast_in_dim3A : vector<256x512xi1>, vector<256x512xf32>
      %get3A_37 = arith.constant 0 : index
      %get3A_38 = arith.constant 0 : index
      %get3A_39 = vector.load %arg8[%get3A_37, %get3A_38] : memref<256x512xf32, #tpu.memory_space<vmem>>, vector<256x1xf32>
      %reduce_max3A = arith.constant dense<0xFF800000> : vector<256xf32>
      %reduce_max3A_40 = vector.multi_reduction <maximumf>, %select_n3A, %reduce_max3A [1] : vector<256x512xf32> to vector<256xf32>
      %broadcast_in_dim3A_41 = vector.shape_cast %reduce_max3A_40 : vector<256xf32> to vector<256x1xf32>
      %max3A = arith.maximumf %get3A_39, %broadcast_in_dim3A_41 : vector<256x1xf32>
      %sub3A_42 = vector.broadcast %max3A : vector<256x1xf32> to vector<256x512xf32>
      %sub3A_43 = arith.subf %select_n3A, %sub3A_42 : vector<256x512xf32>
      %exp3A = math.exp %sub3A_43 : vector<256x512xf32>
      %sub3A_44 = arith.subf %get3A_39, %max3A : vector<256x1xf32>
      %exp3A_45 = math.exp %sub3A_44 : vector<256x1xf32>
      %get3A_46 = arith.constant 0 : index
      %get3A_47 = arith.constant 0 : index
      %get3A_48 = vector.load %arg9[%get3A_46, %get3A_47] : memref<256x512xf32, #tpu.memory_space<vmem>>, vector<256x1xf32>
      %mul3A_49 = arith.mulf %get3A_48, %exp3A_45 : vector<256x1xf32>
      %reduce_sum3A = arith.constant dense<0.000000e+00> : vector<256xf32>
      %reduce_sum3A_50 = vector.multi_reduction <add>, %exp3A, %reduce_sum3A [1] : vector<256x512xf32> to vector<256xf32>
      %broadcast_in_dim3A_51 = vector.shape_cast %reduce_sum3A_50 : vector<256xf32> to vector<256x1xf32>
      %add3A_52 = arith.addf %mul3A_49, %broadcast_in_dim3A_51 : vector<256x1xf32>
      %swap3A = arith.constant 0 : index
      %swap3A_53 = arith.constant 0 : index
      %swap3A_54 = vector.load %arg9[%swap3A, %swap3A_53] : memref<256x512xf32, #tpu.memory_space<vmem>>, vector<256x1xf32>
      tpu.vector_store %arg9[%swap3A, %swap3A_53], %add3A_52 {strides = array<i32>} : memref<256x512xf32, #tpu.memory_space<vmem>>, vector<256x1xf32>,
      %swap3A_55 = arith.constant 0 : index
      %swap3A_56 = arith.constant 0 : index
      %swap3A_57 = vector.load %arg8[%swap3A_55, %swap3A_56] : memref<256x512xf32, #tpu.memory_space<vmem>>, vector<256x1xf32>
      tpu.vector_store %arg8[%swap3A_55, %swap3A_56], %max3A {strides = array<i32>} : memref<256x512xf32, #tpu.memory_space<vmem>>, vector<256x1xf32>,
      %convert_element_type3A_58 = arith.truncf %exp3A : vector<256x512xf32> to vector<256x512xbf16>
      %dot_general3A_59 = arith.constant dense<0.000000e+00> : vector<256x64xf32>
      %dot_general3A_60 = tpu.matmul %convert_element_type3A_58, %get3A_32, %dot_general3A_59 {dimension_numbers = #tpu.dot_dimension_numbers<[1], [0], [0], [1], [0, 0, 1, 1], [], []>, transpose_lhs_hint = false} : vector<256x512xbf16>, vector<512x64xbf16>, vector<256x64xf32> -> vector<256x64xf32>
      %get3A_61 = arith.constant 0 : index
      %get3A_62 = arith.constant 0 : index
      %get3A_63 = vector.load %arg7[%get3A_61, %get3A_62] : memref<256x256xf32, #tpu.memory_space<vmem>>, vector<256x64xf32>
      %mul3A_64 = vector.broadcast %exp3A_45 : vector<256x1xf32> to vector<256x64xf32>
      %mul3A_65 = arith.mulf %get3A_63, %mul3A_64 : vector<256x64xf32>
      %add3A_66 = arith.addf %mul3A_65, %dot_general3A_60 : vector<256x64xf32>
      %swap3A_67 = arith.constant 0 : index
      %swap3A_68 = arith.constant 0 : index
      %swap3A_69 = vector.load %arg7[%swap3A_67, %swap3A_68] : memref<256x256xf32, #tpu.memory_space<vmem>>, vector<256x64xf32>
      tpu.vector_store %arg7[%swap3A_67, %swap3A_68], %add3A_66 {strides = array<i32>} : memref<256x256xf32, #tpu.memory_space<vmem>>, vector<256x64xf32>,
      %get3A_70 = arith.constant 0 : index
      %get3A_71 = arith.constant 64 : index
      %get3A_72 = vector.load %arg3[%get3A_70, %get3A_71] : memref<256x256xbf16, #tpu.memory_space<vmem>>, vector<256x64xbf16>
      %get3A_73 = arith.constant 0 : index
      %get3A_74 = arith.constant 64 : index
      %get3A_75 = vector.load %arg4[%get3A_73, %get3A_74] : memref<512x256xbf16, #tpu.memory_space<vmem>>, vector<512x64xbf16>
      %get3A_76 = arith.constant 0 : index
      %get3A_77 = arith.constant 64 : index
      %get3A_78 = vector.load %arg5[%get3A_76, %get3A_77] : memref<512x256xbf16, #tpu.memory_space<vmem>>, vector<512x64xbf16>
      %dot_general3A_79 = arith.constant dense<0.000000e+00> : vector<256x512xf32>
      %dot_general3A_80 = tpu.matmul %get3A_72, %get3A_75, %dot_general3A_79 {dimension_numbers = #tpu.dot_dimension_numbers<[1], [1], [0], [0], [0, 0, 1, 0], [], []>, transpose_lhs_hint = false} : vector<256x64xbf16>, vector<512x64xbf16>, vector<256x512xf32> -> vector<256x512xf32>
      %mul3A_81 = arith.constant 1.250000e-01 : f32
      %mul3A_82 = vector.broadcast %mul3A_81 : f32 to vector<256x512xf32>
      %mul3A_83 = arith.mulf %dot_general3A_80, %mul3A_82 : vector<256x512xf32>
      %jit3A_84 = arith.constant -1.000000e+09 : f32
      %broadcast_in_dim3A_85 = vector.broadcast %jit3A_84 : f32 to vector<256x512xf32>
      %select_n3A_86 = arith.select %le3A_24, %mul3A_83, %broadcast_in_dim3A_85 : vector<256x512xi1>, vector<256x512xf32>
      %get3A_87 = arith.constant 0 : index
      %get3A_88 = arith.constant 128 : index
      %get3A_89 = vector.load %arg8[%get3A_87, %get3A_88] : memref<256x512xf32, #tpu.memory_space<vmem>>, vector<256x1xf32>
      %reduce_max3A_90 = arith.constant dense<0xFF800000> : vector<256xf32>
      %reduce_max3A_91 = vector.multi_reduction <maximumf>, %select_n3A_86, %reduce_max3A_90 [1] : vector<256x512xf32> to vector<256xf32>
      %broadcast_in_dim3A_92 = vector.shape_cast %reduce_max3A_91 : vector<256xf32> to vector<256x1xf32>
      %max3A_93 = arith.maximumf %get3A_89, %broadcast_in_dim3A_92 : vector<256x1xf32>
      %sub3A_94 = vector.broadcast %max3A_93 : vector<256x1xf32> to vector<256x512xf32>
      %sub3A_95 = arith.subf %select_n3A_86, %sub3A_94 : vector<256x512xf32>
      %exp3A_96 = math.exp %sub3A_95 : vector<256x512xf32>
      %sub3A_97 = arith.subf %get3A_89, %max3A_93 : vector<256x1xf32>
      %exp3A_98 = math.exp %sub3A_97 : vector<256x1xf32>
      %get3A_99 = arith.constant 0 : index
      %get3A_100 = arith.constant 128 : index
      %get3A_101 = vector.load %arg9[%get3A_99, %get3A_100] : memref<256x512xf32, #tpu.memory_space<vmem>>, vector<256x1xf32>
      %mul3A_102 = arith.mulf %get3A_101, %exp3A_98 : vector<256x1xf32>
      %reduce_sum3A_103 = arith.constant dense<0.000000e+00> : vector<256xf32>
      %reduce_sum3A_104 = vector.multi_reduction <add>, %exp3A_96, %reduce_sum3A_103 [1] : vector<256x512xf32> to vector<256xf32>
      %broadcast_in_dim3A_105 = vector.shape_cast %reduce_sum3A_104 : vector<256xf32> to vector<256x1xf32>
      %add3A_106 = arith.addf %mul3A_102, %broadcast_in_dim3A_105 : vector<256x1xf32>
      %swap3A_107 = arith.constant 0 : index
      %swap3A_108 = arith.constant 128 : index
      %swap3A_109 = vector.load %arg9[%swap3A_107, %swap3A_108] : memref<256x512xf32, #tpu.memory_space<vmem>>, vector<256x1xf32>
      tpu.vector_store %arg9[%swap3A_107, %swap3A_108], %add3A_106 {strides = array<i32>} : memref<256x512xf32, #tpu.memory_space<vmem>>, vector<256x1xf32>,
      %swap3A_110 = arith.constant 0 : index
      %swap3A_111 = arith.constant 128 : index
      %swap3A_112 = vector.load %arg8[%swap3A_110, %swap3A_111] : memref<256x512xf32, #tpu.memory_space<vmem>>, vector<256x1xf32>
      tpu.vector_store %arg8[%swap3A_110, %swap3A_111], %max3A_93 {strides = array<i32>} : memref<256x512xf32, #tpu.memory_space<vmem>>, vector<256x1xf32>,
      %convert_element_type3A_113 = arith.truncf %exp3A_96 : vector<256x512xf32> to vector<256x512xbf16>
      %dot_general3A_114 = arith.constant dense<0.000000e+00> : vector<256x64xf32>
      %dot_general3A_115 = tpu.matmul %convert_element_type3A_113, %get3A_78, %dot_general3A_114 {dimension_numbers = #tpu.dot_dimension_numbers<[1], [0], [0], [1], [0, 0, 1, 1], [], []>, transpose_lhs_hint = false} : vector<256x512xbf16>, vector<512x64xbf16>, vector<256x64xf32> -> vector<256x64xf32>
      %get3A_116 = arith.constant 0 : index
      %get3A_117 = arith.constant 64 : index
      %get3A_118 = vector.load %arg7[%get3A_116, %get3A_117] : memref<256x256xf32, #tpu.memory_space<vmem>>, vector<256x64xf32>
      %mul3A_119 = vector.broadcast %exp3A_98 : vector<256x1xf32> to vector<256x64xf32>
      %mul3A_120 = arith.mulf %get3A_118, %mul3A_119 : vector<256x64xf32>
      %add3A_121 = arith.addf %mul3A_120, %dot_general3A_115 : vector<256x64xf32>
      %swap3A_122 = arith.constant 0 : index
      %swap3A_123 = arith.constant 64 : index
      %swap3A_124 = vector.load %arg7[%swap3A_122, %swap3A_123] : memref<256x256xf32, #tpu.memory_space<vmem>>, vector<256x64xf32>
      tpu.vector_store %arg7[%swap3A_122, %swap3A_123], %add3A_121 {strides = array<i32>} : memref<256x256xf32, #tpu.memory_space<vmem>>, vector<256x64xf32>,
      %get3A_125 = arith.constant 0 : index
      %get3A_126 = arith.constant 128 : index
      %get3A_127 = vector.load %arg3[%get3A_125, %get3A_126] : memref<256x256xbf16, #tpu.memory_space<vmem>>, vector<256x64xbf16>
      %get3A_128 = arith.constant 0 : index
      %get3A_129 = arith.constant 128 : index
      %get3A_130 = vector.load %arg4[%get3A_128, %get3A_129] : memref<512x256xbf16, #tpu.memory_space<vmem>>, vector<512x64xbf16>
      %get3A_131 = arith.constant 0 : index
      %get3A_132 = arith.constant 128 : index
      %get3A_133 = vector.load %arg5[%get3A_131, %get3A_132] : memref<512x256xbf16, #tpu.memory_space<vmem>>, vector<512x64xbf16>
      %dot_general3A_134 = arith.constant dense<0.000000e+00> : vector<256x512xf32>
      %dot_general3A_135 = tpu.matmul %get3A_127, %get3A_130, %dot_general3A_134 {dimension_numbers = #tpu.dot_dimension_numbers<[1], [1], [0], [0], [0, 0, 1, 0], [], []>, transpose_lhs_hint = false} : vector<256x64xbf16>, vector<512x64xbf16>, vector<256x512xf32> -> vector<256x512xf32>
      %mul3A_136 = arith.constant 1.250000e-01 : f32
      %mul3A_137 = vector.broadcast %mul3A_136 : f32 to vector<256x512xf32>
      %mul3A_138 = arith.mulf %dot_general3A_135, %mul3A_137 : vector<256x512xf32>
      %jit3A_139 = arith.constant -1.000000e+09 : f32
      %broadcast_in_dim3A_140 = vector.broadcast %jit3A_139 : f32 to vector<256x512xf32>
      %select_n3A_141 = arith.select %le3A_24, %mul3A_138, %broadcast_in_dim3A_140 : vector<256x512xi1>, vector<256x512xf32>
      %get3A_142 = arith.constant 0 : index
      %get3A_143 = arith.constant 256 : index
      %get3A_144 = vector.load %arg8[%get3A_142, %get3A_143] : memref<256x512xf32, #tpu.memory_space<vmem>>, vector<256x1xf32>
      %reduce_max3A_145 = arith.constant dense<0xFF800000> : vector<256xf32>
      %reduce_max3A_146 = vector.multi_reduction <maximumf>, %select_n3A_141, %reduce_max3A_145 [1] : vector<256x512xf32> to vector<256xf32>
      %broadcast_in_dim3A_147 = vector.shape_cast %reduce_max3A_146 : vector<256xf32> to vector<256x1xf32>
      %max3A_148 = arith.maximumf %get3A_144, %broadcast_in_dim3A_147 : vector<256x1xf32>
      %sub3A_149 = vector.broadcast %max3A_148 : vector<256x1xf32> to vector<256x512xf32>
      %sub3A_150 = arith.subf %select_n3A_141, %sub3A_149 : vector<256x512xf32>
      %exp3A_151 = math.exp %sub3A_150 : vector<256x512xf32>
      %sub3A_152 = arith.subf %get3A_144, %max3A_148 : vector<256x1xf32>
      %exp3A_153 = math.exp %sub3A_152 : vector<256x1xf32>
      %get3A_154 = arith.constant 0 : index
      %get3A_155 = arith.constant 256 : index
      %get3A_156 = vector.load %arg9[%get3A_154, %get3A_155] : memref<256x512xf32, #tpu.memory_space<vmem>>, vector<256x1xf32>
      %mul3A_157 = arith.mulf %get3A_156, %exp3A_153 : vector<256x1xf32>
      %reduce_sum3A_158 = arith.constant dense<0.000000e+00> : vector<256xf32>
      %reduce_sum3A_159 = vector.multi_reduction <add>, %exp3A_151, %reduce_sum3A_158 [1] : vector<256x512xf32> to vector<256xf32>
      %broadcast_in_dim3A_160 = vector.shape_cast %reduce_sum3A_159 : vector<256xf32> to vector<256x1xf32>
      %add3A_161 = arith.addf %mul3A_157, %broadcast_in_dim3A_160 : vector<256x1xf32>
      %swap3A_162 = arith.constant 0 : index
      %swap3A_163 = arith.constant 256 : index
      %swap3A_164 = vector.load %arg9[%swap3A_162, %swap3A_163] : memref<256x512xf32, #tpu.memory_space<vmem>>, vector<256x1xf32>
      tpu.vector_store %arg9[%swap3A_162, %swap3A_163], %add3A_161 {strides = array<i32>} : memref<256x512xf32, #tpu.memory_space<vmem>>, vector<256x1xf32>,
      %swap3A_165 = arith.constant 0 : index
      %swap3A_166 = arith.constant 256 : index
      %swap3A_167 = vector.load %arg8[%swap3A_165, %swap3A_166] : memref<256x512xf32, #tpu.memory_space<vmem>>, vector<256x1xf32>
      tpu.vector_store %arg8[%swap3A_165, %swap3A_166], %max3A_148 {strides = array<i32>} : memref<256x512xf32, #tpu.memory_space<vmem>>, vector<256x1xf32>,
      %convert_element_type3A_168 = arith.truncf %exp3A_151 : vector<256x512xf32> to vector<256x512xbf16>
      %dot_general3A_169 = arith.constant dense<0.000000e+00> : vector<256x64xf32>
      %dot_general3A_170 = tpu.matmul %convert_element_type3A_168, %get3A_133, %dot_general3A_169 {dimension_numbers = #tpu.dot_dimension_numbers<[1], [0], [0], [1], [0, 0, 1, 1], [], []>, transpose_lhs_hint = false} : vector<256x512xbf16>, vector<512x64xbf16>, vector<256x64xf32> -> vector<256x64xf32>
      %get3A_171 = arith.constant 0 : index
      %get3A_172 = arith.constant 128 : index
      %get3A_173 = vector.load %arg7[%get3A_171, %get3A_172] : memref<256x256xf32, #tpu.memory_space<vmem>>, vector<256x64xf32>
      %mul3A_174 = vector.broadcast %exp3A_153 : vector<256x1xf32> to vector<256x64xf32>
      %mul3A_175 = arith.mulf %get3A_173, %mul3A_174 : vector<256x64xf32>
      %add3A_176 = arith.addf %mul3A_175, %dot_general3A_170 : vector<256x64xf32>
      %swap3A_177 = arith.constant 0 : index
      %swap3A_178 = arith.constant 128 : index
      %swap3A_179 = vector.load %arg7[%swap3A_177, %swap3A_178] : memref<256x256xf32, #tpu.memory_space<vmem>>, vector<256x64xf32>
      tpu.vector_store %arg7[%swap3A_177, %swap3A_178], %add3A_176 {strides = array<i32>} : memref<256x256xf32, #tpu.memory_space<vmem>>, vector<256x64xf32>,
      %get3A_180 = arith.constant 0 : index
      %get3A_181 = arith.constant 192 : index
      %get3A_182 = vector.load %arg3[%get3A_180, %get3A_181] : memref<256x256xbf16, #tpu.memory_space<vmem>>, vector<256x64xbf16>
      %get3A_183 = arith.constant 0 : index
      %get3A_184 = arith.constant 192 : index
      %get3A_185 = vector.load %arg4[%get3A_183, %get3A_184] : memref<512x256xbf16, #tpu.memory_space<vmem>>, vector<512x64xbf16>
      %get3A_186 = arith.constant 0 : index
      %get3A_187 = arith.constant 192 : index
      %get3A_188 = vector.load %arg5[%get3A_186, %get3A_187] : memref<512x256xbf16, #tpu.memory_space<vmem>>, vector<512x64xbf16>
      %dot_general3A_189 = arith.constant dense<0.000000e+00> : vector<256x512xf32>
      %dot_general3A_190 = tpu.matmul %get3A_182, %get3A_185, %dot_general3A_189 {dimension_numbers = #tpu.dot_dimension_numbers<[1], [1], [0], [0], [0, 0, 1, 0], [], []>, transpose_lhs_hint = false} : vector<256x64xbf16>, vector<512x64xbf16>, vector<256x512xf32> -> vector<256x512xf32>
      %mul3A_191 = arith.constant 1.250000e-01 : f32
      %mul3A_192 = vector.broadcast %mul3A_191 : f32 to vector<256x512xf32>
      %mul3A_193 = arith.mulf %dot_general3A_190, %mul3A_192 : vector<256x512xf32>
      %jit3A_194 = arith.constant -1.000000e+09 : f32
      %broadcast_in_dim3A_195 = vector.broadcast %jit3A_194 : f32 to vector<256x512xf32>
      %select_n3A_196 = arith.select %le3A_24, %mul3A_193, %broadcast_in_dim3A_195 : vector<256x512xi1>, vector<256x512xf32>
      %get3A_197 = arith.constant 0 : index
      %get3A_198 = arith.constant 384 : index
      %get3A_199 = vector.load %arg8[%get3A_197, %get3A_198] : memref<256x512xf32, #tpu.memory_space<vmem>>, vector<256x1xf32>
      %reduce_max3A_200 = arith.constant dense<0xFF800000> : vector<256xf32>
      %reduce_max3A_201 = vector.multi_reduction <maximumf>, %select_n3A_196, %reduce_max3A_200 [1] : vector<256x512xf32> to vector<256xf32>
      %broadcast_in_dim3A_202 = vector.shape_cast %reduce_max3A_201 : vector<256xf32> to vector<256x1xf32>
      %max3A_203 = arith.maximumf %get3A_199, %broadcast_in_dim3A_202 : vector<256x1xf32>
      %sub3A_204 = vector.broadcast %max3A_203 : vector<256x1xf32> to vector<256x512xf32>
      %sub3A_205 = arith.subf %select_n3A_196, %sub3A_204 : vector<256x512xf32>
      %exp3A_206 = math.exp %sub3A_205 : vector<256x512xf32>
      %sub3A_207 = arith.subf %get3A_199, %max3A_203 : vector<256x1xf32>
      %exp3A_208 = math.exp %sub3A_207 : vector<256x1xf32>
      %get3A_209 = arith.constant 0 : index
      %get3A_210 = arith.constant 384 : index
      %get3A_211 = vector.load %arg9[%get3A_209, %get3A_210] : memref<256x512xf32, #tpu.memory_space<vmem>>, vector<256x1xf32>
      %mul3A_212 = arith.mulf %get3A_211, %exp3A_208 : vector<256x1xf32>
      %reduce_sum3A_213 = arith.constant dense<0.000000e+00> : vector<256xf32>
      %reduce_sum3A_214 = vector.multi_reduction <add>, %exp3A_206, %reduce_sum3A_213 [1] : vector<256x512xf32> to vector<256xf32>
      %broadcast_in_dim3A_215 = vector.shape_cast %reduce_sum3A_214 : vector<256xf32> to vector<256x1xf32>
      %add3A_216 = arith.addf %mul3A_212, %broadcast_in_dim3A_215 : vector<256x1xf32>
      %swap3A_217 = arith.constant 0 : index
      %swap3A_218 = arith.constant 384 : index
      %swap3A_219 = vector.load %arg9[%swap3A_217, %swap3A_218] : memref<256x512xf32, #tpu.memory_space<vmem>>, vector<256x1xf32>
      tpu.vector_store %arg9[%swap3A_217, %swap3A_218], %add3A_216 {strides = array<i32>} : memref<256x512xf32, #tpu.memory_space<vmem>>, vector<256x1xf32>,
      %swap3A_220 = arith.constant 0 : index
      %swap3A_221 = arith.constant 384 : index
      %swap3A_222 = vector.load %arg8[%swap3A_220, %swap3A_221] : memref<256x512xf32, #tpu.memory_space<vmem>>, vector<256x1xf32>
      tpu.vector_store %arg8[%swap3A_220, %swap3A_221], %max3A_203 {strides = array<i32>} : memref<256x512xf32, #tpu.memory_space<vmem>>, vector<256x1xf32>,
      %convert_element_type3A_223 = arith.truncf %exp3A_206 : vector<256x512xf32> to vector<256x512xbf16>
      %dot_general3A_224 = arith.constant dense<0.000000e+00> : vector<256x64xf32>
      %dot_general3A_225 = tpu.matmul %convert_element_type3A_223, %get3A_188, %dot_general3A_224 {dimension_numbers = #tpu.dot_dimension_numbers<[1], [0], [0], [1], [0, 0, 1, 1], [], []>, transpose_lhs_hint = false} : vector<256x512xbf16>, vector<512x64xbf16>, vector<256x64xf32> -> vector<256x64xf32>
      %get3A_226 = arith.constant 0 : index
      %get3A_227 = arith.constant 192 : index
      %get3A_228 = vector.load %arg7[%get3A_226, %get3A_227] : memref<256x256xf32, #tpu.memory_space<vmem>>, vector<256x64xf32>
      %mul3A_229 = vector.broadcast %exp3A_208 : vector<256x1xf32> to vector<256x64xf32>
      %mul3A_230 = arith.mulf %get3A_228, %mul3A_229 : vector<256x64xf32>
      %add3A_231 = arith.addf %mul3A_230, %dot_general3A_225 : vector<256x64xf32>
      %swap3A_232 = arith.constant 0 : index
      %swap3A_233 = arith.constant 192 : index
      %swap3A_234 = vector.load %arg7[%swap3A_232, %swap3A_233] : memref<256x256xf32, #tpu.memory_space<vmem>>, vector<256x64xf32>
      tpu.vector_store %arg7[%swap3A_232, %swap3A_233], %add3A_231 {strides = array<i32>} : memref<256x256xf32, #tpu.memory_space<vmem>>, vector<256x64xf32>,
    } else {
    }
    %eq3A_10 = arith.constant 3 : i32
    %eq3A_11 = arith.cmpi eq, %arg2, %eq3A_10 : i32
    %convert_element_type3A_12 = arith.extui %eq3A_11 : i1 to i32
    %cond3A_13 = arith.constant 0 : i32
    %cond3A_14 = arith.cmpi ne, %convert_element_type3A_12, %cond3A_13 : i32
    scf.if %cond3A_14 {
      %get3A = arith.constant 0 : index
      %get3A_15 = arith.constant 0 : index
      %get3A_16 = vector.load %arg9[%get3A, %get3A_15] : memref<256x512xf32, #tpu.memory_space<vmem>>, vector<256x1xf32>
      %broadcast_in_dim3A = vector.shape_cast %get3A_16 : vector<256x1xf32> to vector<256x1xf32>
      %broadcast_in_dim3A_17 = vector.broadcast %broadcast_in_dim3A : vector<256x1xf32> to vector<256x64xf32>
      %get3A_18 = arith.constant 0 : index
      %get3A_19 = arith.constant 128 : index
      %get3A_20 = vector.load %arg9[%get3A_18, %get3A_19] : memref<256x512xf32, #tpu.memory_space<vmem>>, vector<256x1xf32>
      %broadcast_in_dim3A_21 = vector.shape_cast %get3A_20 : vector<256x1xf32> to vector<256x1xf32>
      %broadcast_in_dim3A_22 = vector.broadcast %broadcast_in_dim3A_21 : vector<256x1xf32> to vector<256x64xf32>
      %get3A_23 = arith.constant 0 : index
      %get3A_24 = arith.constant 256 : index
      %get3A_25 = vector.load %arg9[%get3A_23, %get3A_24] : memref<256x512xf32, #tpu.memory_space<vmem>>, vector<256x1xf32>
      %broadcast_in_dim3A_26 = vector.shape_cast %get3A_25 : vector<256x1xf32> to vector<256x1xf32>
      %broadcast_in_dim3A_27 = vector.broadcast %broadcast_in_dim3A_26 : vector<256x1xf32> to vector<256x64xf32>
      %get3A_28 = arith.constant 0 : index
      %get3A_29 = arith.constant 384 : index
      %get3A_30 = vector.load %arg9[%get3A_28, %get3A_29] : memref<256x512xf32, #tpu.memory_space<vmem>>, vector<256x1xf32>
      %broadcast_in_dim3A_31 = vector.shape_cast %get3A_30 : vector<256x1xf32> to vector<256x1xf32>
      %broadcast_in_dim3A_32 = vector.broadcast %broadcast_in_dim3A_31 : vector<256x1xf32> to vector<256x64xf32>
      %concatenate3A = tpu.concatenate %broadcast_in_dim3A_17, %broadcast_in_dim3A_22, %broadcast_in_dim3A_27, %broadcast_in_dim3A_32 in 1 : vector<256x64xf32>, vector<256x64xf32>, vector<256x64xf32>, vector<256x64xf32> -> vector<256x256xf32>
      %get3A_33 = arith.constant 0 : index
      %get3A_34 = arith.constant 0 : index
      %get3A_35 = vector.load %arg7[%get3A_33, %get3A_34] : memref<256x256xf32, #tpu.memory_space<vmem>>, vector<256x256xf32>
      %div3A = arith.divf %get3A_35, %concatenate3A : vector<256x256xf32>
      %convert_element_type3A_36 = arith.truncf %div3A : vector<256x256xf32> to vector<256x256xbf16>
      %swap3A = arith.constant 0 : index
      %swap3A_37 = arith.constant 0 : index
      %swap3A_38 = vector.load %arg6[%swap3A, %swap3A_37] : memref<256x256xbf16, #tpu.memory_space<vmem>>, vector<256x256xbf16>
      tpu.vector_store %arg6[%swap3A, %swap3A_37], %convert_element_type3A_36 {strides = array<i32>} : memref<256x256xbf16, #tpu.memory_space<vmem>>, vector<256x256xbf16>,
    } else {
    }
    return
  }
  func.func @transform_0(%arg0: i32, %arg1: i32, %arg2: i32) -> (i32, i32) {
    %c0_i32 = arith.constant 0 : i32
    return %arg1, %arg0 : i32, i32
  }
  func.func @transform_1(%arg0: i32, %arg1: i32, %arg2: i32) -> (i32, i32) {
    %add3A = arith.constant 4 : i32
    %add3A_0 = arith.addi %add3A, %arg0 : i32
    %c0_i32 = arith.constant 0 : i32
    return %arg2, %add3A_0 : i32, i32
  }
  func.func @transform_2(%arg0: i32, %arg1: i32, %arg2: i32) -> (i32, i32) {
    %add3A = arith.constant 8 : i32
    %add3A_0 = arith.addi %add3A, %arg0 : i32
    %c0_i32 = arith.constant 0 : i32
    return %arg2, %add3A_0 : i32, i32
  }
  func.func @transform_3(%arg0: i32, %arg1: i32, %arg2: i32) -> (i32, i32) {
    %c0_i32 = arith.constant 0 : i32
    return %arg1, %arg0 : i32, i32
  }
}

module attributes {stable_mosaic.version = 14 : i64} {
  func.func @_wo_ln_router_kernel(%arg0: i32, %arg1: memref<256x1024xbf16, #tpu.memory_space<vmem>>, %arg2: memref<1024x1024xbf16, #tpu.memory_space<vmem>>, %arg3: memref<256x1024xf32, #tpu.memory_space<vmem>>, %arg4: memref<1x1024xf32, #tpu.memory_space<vmem>>, %arg5: memref<1024x128xf32, #tpu.memory_space<vmem>>, %arg6: memref<256x1024xf32, #tpu.memory_space<vmem>>, %arg7: memref<256x1024xf32, #tpu.memory_space<vmem>>, %arg8: memref<256x128xf32, #tpu.memory_space<vmem>>) attributes {dimension_semantics = [#tpu.dimension_semantics<arbitrary>], iteration_bounds = array<i64: 8>, scalar_prefetch = 0 : i64, scratch_operands = 0 : i64, tpu.core_type = #tpu.core_type<tc>, window_params = [{transform_indices = @transform_0, window_bounds = array<i64: 256, 1024>}, {pipeline_mode = #tpu.pipeline_mode<synchronous>, transform_indices = @transform_1, window_bounds = array<i64: 1024, 1024>}, {transform_indices = @transform_2, window_bounds = array<i64: 256, 1024>}, {pipeline_mode = #tpu.pipeline_mode<synchronous>, transform_indices = @transform_3, window_bounds = array<i64: 1, 1024>}, {pipeline_mode = #tpu.pipeline_mode<synchronous>, transform_indices = @transform_4, window_bounds = array<i64: 1024, 128>}, {transform_indices = @transform_5, window_bounds = array<i64: 256, 1024>}, {transform_indices = @transform_6, window_bounds = array<i64: 256, 1024>}, {transform_indices = @transform_7, window_bounds = array<i64: 256, 128>}]} {
    %get3A = arith.constant 0 : index
    %get3A_0 = arith.constant 0 : index
    %get3A_1 = vector.load %arg1[%get3A, %get3A_0] : memref<256x1024xbf16, #tpu.memory_space<vmem>>, vector<256x1024xbf16>
    %get3A_2 = arith.constant 0 : index
    %get3A_3 = arith.constant 0 : index
    %get3A_4 = vector.load %arg2[%get3A_2, %get3A_3] : memref<1024x1024xbf16, #tpu.memory_space<vmem>>, vector<1024x1024xbf16>
    %dot_general3A = arith.constant dense<0.000000e+00> : vector<256x1024xf32>
    %dot_general3A_5 = tpu.matmul %get3A_1, %get3A_4, %dot_general3A {dimension_numbers = #tpu.dot_dimension_numbers<[1], [0], [0], [1], [0, 0, 1, 1], [], []>, transpose_lhs_hint = false} : vector<256x1024xbf16>, vector<1024x1024xbf16>, vector<256x1024xf32> -> vector<256x1024xf32>
    %get3A_6 = arith.constant 0 : index
    %get3A_7 = arith.constant 0 : index
    %get3A_8 = vector.load %arg3[%get3A_6, %get3A_7] : memref<256x1024xf32, #tpu.memory_space<vmem>>, vector<256x1024xf32>
    %add3A = arith.addf %dot_general3A_5, %get3A_8 : vector<256x1024xf32>
    %swap3A = arith.constant 0 : index
    %swap3A_9 = arith.constant 0 : index
    %swap3A_10 = vector.load %arg6[%swap3A, %swap3A_9] : memref<256x1024xf32, #tpu.memory_space<vmem>>, vector<256x1024xf32>
    tpu.vector_store %arg6[%swap3A, %swap3A_9], %add3A {strides = array<i32>} : memref<256x1024xf32, #tpu.memory_space<vmem>>, vector<256x1024xf32>,
    %mul3A = arith.mulf %add3A, %add3A : vector<256x1024xf32>
    %reduce_sum3A = arith.constant dense<0.000000e+00> : vector<256xf32>
    %reduce_sum3A_11 = vector.multi_reduction <add>, %mul3A, %reduce_sum3A [1] : vector<256x1024xf32> to vector<256xf32>
    %broadcast_in_dim3A = vector.shape_cast %reduce_sum3A_11 : vector<256xf32> to vector<256x1xf32>
    %div3A = arith.constant 1.024000e+03 : f32
    %div3A_12 = vector.broadcast %div3A : f32 to vector<256x1xf32>
    %div3A_13 = arith.divf %broadcast_in_dim3A, %div3A_12 : vector<256x1xf32>
    %add3A_14 = arith.constant 9.99999974E-6 : f32
    %add3A_15 = vector.broadcast %add3A_14 : f32 to vector<256x1xf32>
    %add3A_16 = arith.addf %div3A_13, %add3A_15 : vector<256x1xf32>
    %rsqrt3A = math.rsqrt %add3A_16 : vector<256x1xf32>
    %mul3A_17 = vector.broadcast %rsqrt3A : vector<256x1xf32> to vector<256x1024xf32>
    %mul3A_18 = arith.mulf %add3A, %mul3A_17 : vector<256x1024xf32>
    %get3A_19 = arith.constant 0 : index
    %get3A_20 = arith.constant 0 : index
    %get3A_21 = vector.load %arg4[%get3A_19, %get3A_20] : memref<1x1024xf32, #tpu.memory_space<vmem>>, vector<1x1024xf32>
    %get3A_22 = vector.shape_cast %get3A_21 : vector<1x1024xf32> to vector<1024xf32>
    %broadcast_in_dim3A_23 = vector.shape_cast %get3A_22 : vector<1024xf32> to vector<1x1024xf32>
    %mul3A_24 = vector.broadcast %broadcast_in_dim3A_23 : vector<1x1024xf32> to vector<256x1024xf32>
    %mul3A_25 = arith.mulf %mul3A_18, %mul3A_24 : vector<256x1024xf32>
    %swap3A_26 = arith.constant 0 : index
    %swap3A_27 = arith.constant 0 : index
    %swap3A_28 = vector.load %arg7[%swap3A_26, %swap3A_27] : memref<256x1024xf32, #tpu.memory_space<vmem>>, vector<256x1024xf32>
    tpu.vector_store %arg7[%swap3A_26, %swap3A_27], %mul3A_25 {strides = array<i32>} : memref<256x1024xf32, #tpu.memory_space<vmem>>, vector<256x1024xf32>,
    %get3A_29 = arith.constant 0 : index
    %get3A_30 = arith.constant 0 : index
    %get3A_31 = vector.load %arg5[%get3A_29, %get3A_30] : memref<1024x128xf32, #tpu.memory_space<vmem>>, vector<1024x128xf32>
    %dot_general3A_32 = arith.constant dense<0.000000e+00> : vector<256x128xf32>
    %dot_general3A_33 = tpu.matmul %mul3A_25, %get3A_31, %dot_general3A_32 {dimension_numbers = #tpu.dot_dimension_numbers<[1], [0], [0], [1], [0, 0, 1, 1], [], []>, transpose_lhs_hint = false} : vector<256x1024xf32>, vector<1024x128xf32>, vector<256x128xf32> -> vector<256x128xf32>
    %swap3A_34 = arith.constant 0 : index
    %swap3A_35 = arith.constant 0 : index
    %swap3A_36 = vector.load %arg8[%swap3A_34, %swap3A_35] : memref<256x128xf32, #tpu.memory_space<vmem>>, vector<256x128xf32>
    tpu.vector_store %arg8[%swap3A_34, %swap3A_35], %dot_general3A_33 {strides = array<i32>} : memref<256x128xf32, #tpu.memory_space<vmem>>, vector<256x128xf32>,
    return
  }
  func.func @transform_0(%arg0: i32) -> (i32, i32) {
    %c0_i32 = arith.constant 0 : i32
    %c0_i32_0 = arith.constant 0 : i32
    return %arg0, %c0_i32 : i32, i32
  }
  func.func @transform_1(%arg0: i32) -> (i32, i32) {
    %c0_i32 = arith.constant 0 : i32
    %c0_i32_0 = arith.constant 0 : i32
    %c0_i32_1 = arith.constant 0 : i32
    return %c0_i32, %c0_i32_0 : i32, i32
  }
  func.func @transform_2(%arg0: i32) -> (i32, i32) {
    %c0_i32 = arith.constant 0 : i32
    %c0_i32_0 = arith.constant 0 : i32
    return %arg0, %c0_i32 : i32, i32
  }
  func.func @transform_3(%arg0: i32) -> (i32, i32) {
    %c0_i32 = arith.constant 0 : i32
    %c0_i32_0 = arith.constant 0 : i32
    %c0_i32_1 = arith.constant 0 : i32
    return %c0_i32, %c0_i32_0 : i32, i32
  }
  func.func @transform_4(%arg0: i32) -> (i32, i32) {
    %c0_i32 = arith.constant 0 : i32
    %c0_i32_0 = arith.constant 0 : i32
    %c0_i32_1 = arith.constant 0 : i32
    return %c0_i32, %c0_i32_0 : i32, i32
  }
  func.func @transform_5(%arg0: i32) -> (i32, i32) {
    %c0_i32 = arith.constant 0 : i32
    %c0_i32_0 = arith.constant 0 : i32
    return %arg0, %c0_i32 : i32, i32
  }
  func.func @transform_6(%arg0: i32) -> (i32, i32) {
    %c0_i32 = arith.constant 0 : i32
    %c0_i32_0 = arith.constant 0 : i32
    return %arg0, %c0_i32 : i32, i32
  }
  func.func @transform_7(%arg0: i32) -> (i32, i32) {
    %c0_i32 = arith.constant 0 : i32
    %c0_i32_0 = arith.constant 0 : i32
    return %arg0, %c0_i32 : i32, i32
  }
}

module attributes {stable_mosaic.version = 14 : i64} {
  func.func @_moe1_kernel(%arg0: i32, %arg1: i32, %arg2: memref<40xi32, #tpu.memory_space<smem>>, %arg3: memref<128x1024xbf16, #tpu.memory_space<vmem>>, %arg4: memref<1x1024x512xbf16, #tpu.memory_space<vmem>>, %arg5: memref<1x1024x512xbf16, #tpu.memory_space<vmem>>, %arg6: memref<1x1x128xf32, #tpu.memory_space<vmem>>, %arg7: memref<128x512xbf16, #tpu.memory_space<vmem>>) attributes {dimension_semantics = [#tpu.dimension_semantics<arbitrary>, #tpu.dimension_semantics<arbitrary>], iteration_bounds = array<i64: 4, 40>, scalar_prefetch = 1 : i64, scratch_operands = 0 : i64, tpu.core_type = #tpu.core_type<tc>, window_params = [{transform_indices = @transform_0, window_bounds = array<i64: 128, 1024>}, {transform_indices = @transform_1, window_bounds = array<i64: 1, 1024, 512>}, {transform_indices = @transform_2, window_bounds = array<i64: 1, 1024, 512>}, {transform_indices = @transform_3, window_bounds = array<i64: 1, 1, 128>}, {transform_indices = @transform_4, window_bounds = array<i64: 128, 512>}]} {
    %get3A = arith.constant 0 : index
    %get3A_0 = arith.constant 0 : index
    %get3A_1 = vector.load %arg3[%get3A, %get3A_0] : memref<128x1024xbf16, #tpu.memory_space<vmem>>, vector<128x1024xbf16>
    %get3A_2 = arith.constant 0 : index
    %get3A_3 = arith.constant 0 : index
    %get3A_4 = arith.constant 0 : index
    %get3A_5 = vector.load %arg4[%get3A_2, %get3A_3, %get3A_4] : memref<1x1024x512xbf16, #tpu.memory_space<vmem>>, vector<1x1024x512xbf16>
    %get3A_6 = vector.shape_cast %get3A_5 : vector<1x1024x512xbf16> to vector<1024x512xbf16>
    %dot_general3A = arith.constant dense<0.000000e+00> : vector<128x512xf32>
    %dot_general3A_7 = tpu.matmul %get3A_1, %get3A_6, %dot_general3A {dimension_numbers = #tpu.dot_dimension_numbers<[1], [0], [0], [1], [0, 0, 1, 1], [], []>, transpose_lhs_hint = false} : vector<128x1024xbf16>, vector<1024x512xbf16>, vector<128x512xf32> -> vector<128x512xf32>
    %get3A_8 = arith.constant 0 : index
    %get3A_9 = arith.constant 0 : index
    %get3A_10 = arith.constant 0 : index
    %get3A_11 = vector.load %arg5[%get3A_8, %get3A_9, %get3A_10] : memref<1x1024x512xbf16, #tpu.memory_space<vmem>>, vector<1x1024x512xbf16>
    %get3A_12 = vector.shape_cast %get3A_11 : vector<1x1024x512xbf16> to vector<1024x512xbf16>
    %dot_general3A_13 = arith.constant dense<0.000000e+00> : vector<128x512xf32>
    %dot_general3A_14 = tpu.matmul %get3A_1, %get3A_12, %dot_general3A_13 {dimension_numbers = #tpu.dot_dimension_numbers<[1], [0], [0], [1], [0, 0, 1, 1], [], []>, transpose_lhs_hint = false} : vector<128x1024xbf16>, vector<1024x512xbf16>, vector<128x512xf32> -> vector<128x512xf32>
    %get3A_15 = arith.constant 0 : index
    %get3A_16 = arith.constant 0 : index
    %get3A_17 = arith.constant 0 : index
    %get3A_18 = vector.load %arg6[%get3A_15, %get3A_16, %get3A_17] : memref<1x1x128xf32, #tpu.memory_space<vmem>>, vector<1x1x128xf32>
    %get3A_19 = vector.shape_cast %get3A_18 : vector<1x1x128xf32> to vector<128xf32>
    %logistic3A = arith.negf %dot_general3A_7 : vector<128x512xf32>
    %logistic3A_20 = math.exp %logistic3A : vector<128x512xf32>
    %logistic3A_21 = arith.constant 1.000000e+00 : f32
    %logistic3A_22 = vector.broadcast %logistic3A_21 : f32 to vector<128x512xf32>
    %logistic3A_23 = arith.addf %logistic3A_22, %logistic3A_20 : vector<128x512xf32>
    %logistic3A_24 = arith.divf %logistic3A_22, %logistic3A_23 : vector<128x512xf32>
    %mul3A = arith.mulf %dot_general3A_7, %logistic3A_24 : vector<128x512xf32>
    %mul3A_25 = arith.mulf %mul3A, %dot_general3A_14 : vector<128x512xf32>
    %broadcast_in_dim3A = vector.shape_cast %get3A_19 : vector<128xf32> to vector<128x1xf32>
    %mul3A_26 = vector.broadcast %broadcast_in_dim3A : vector<128x1xf32> to vector<128x512xf32>
    %mul3A_27 = arith.mulf %mul3A_25, %mul3A_26 : vector<128x512xf32>
    %convert_element_type3A = arith.truncf %mul3A_27 : vector<128x512xf32> to vector<128x512xbf16>
    %swap3A = arith.constant 0 : index
    %swap3A_28 = arith.constant 0 : index
    %swap3A_29 = vector.load %arg7[%swap3A, %swap3A_28] : memref<128x512xbf16, #tpu.memory_space<vmem>>, vector<128x512xbf16>
    tpu.vector_store %arg7[%swap3A, %swap3A_28], %convert_element_type3A {strides = array<i32>} : memref<128x512xbf16, #tpu.memory_space<vmem>>, vector<128x512xbf16>,
    return
  }
  func.func @transform_0(%arg0: i32, %arg1: i32, %arg2: memref<40xi32, #tpu.memory_space<smem>>) -> (i32, i32) {
    %c0_i32 = arith.constant 0 : i32
    %c0_i32_0 = arith.constant 0 : i32
    return %arg1, %c0_i32 : i32, i32
  }
  func.func @transform_1(%arg0: i32, %arg1: i32, %arg2: memref<40xi32, #tpu.memory_space<smem>>) -> (i32, i32, i32) {
    %get3A = arith.index_cast %arg1 : i32 to index
    %get3A_0 = memref.load %arg2[%get3A] : memref<40xi32, #tpu.memory_space<smem>>
    %c0_i32 = arith.constant 0 : i32
    %c0_i32_1 = arith.constant 0 : i32
    return %get3A_0, %c0_i32, %arg0 : i32, i32, i32
  }
  func.func @transform_2(%arg0: i32, %arg1: i32, %arg2: memref<40xi32, #tpu.memory_space<smem>>) -> (i32, i32, i32) {
    %get3A = arith.index_cast %arg1 : i32 to index
    %get3A_0 = memref.load %arg2[%get3A] : memref<40xi32, #tpu.memory_space<smem>>
    %c0_i32 = arith.constant 0 : i32
    %c0_i32_1 = arith.constant 0 : i32
    return %get3A_0, %c0_i32, %arg0 : i32, i32, i32
  }
  func.func @transform_3(%arg0: i32, %arg1: i32, %arg2: memref<40xi32, #tpu.memory_space<smem>>) -> (i32, i32, i32) {
    %c0_i32 = arith.constant 0 : i32
    %c0_i32_0 = arith.constant 0 : i32
    %c0_i32_1 = arith.constant 0 : i32
    return %arg1, %c0_i32, %c0_i32_0 : i32, i32, i32
  }
  func.func @transform_4(%arg0: i32, %arg1: i32, %arg2: memref<40xi32, #tpu.memory_space<smem>>) -> (i32, i32) {
    %c0_i32 = arith.constant 0 : i32
    return %arg1, %arg0 : i32, i32
  }
}

module attributes {stable_mosaic.version = 14 : i64} {
  func.func @_moe2_kernel(%arg0: i32, %arg1: i32, %arg2: memref<40xi32, #tpu.memory_space<smem>>, %arg3: memref<128x2048xbf16, #tpu.memory_space<vmem>>, %arg4: memref<1x2048x512xbf16, #tpu.memory_space<vmem>>, %arg5: memref<128x512xf32, #tpu.memory_space<vmem>>) attributes {dimension_semantics = [#tpu.dimension_semantics<arbitrary>, #tpu.dimension_semantics<arbitrary>], iteration_bounds = array<i64: 2, 40>, scalar_prefetch = 1 : i64, scratch_operands = 0 : i64, tpu.core_type = #tpu.core_type<tc>, window_params = [{transform_indices = @transform_0, window_bounds = array<i64: 128, 2048>}, {transform_indices = @transform_1, window_bounds = array<i64: 1, 2048, 512>}, {transform_indices = @transform_2, window_bounds = array<i64: 128, 512>}]} {
    %get3A = arith.constant 0 : index
    %get3A_0 = arith.constant 0 : index
    %get3A_1 = vector.load %arg3[%get3A, %get3A_0] : memref<128x2048xbf16, #tpu.memory_space<vmem>>, vector<128x2048xbf16>
    %get3A_2 = arith.constant 0 : index
    %get3A_3 = arith.constant 0 : index
    %get3A_4 = arith.constant 0 : index
    %get3A_5 = vector.load %arg4[%get3A_2, %get3A_3, %get3A_4] : memref<1x2048x512xbf16, #tpu.memory_space<vmem>>, vector<1x2048x512xbf16>
    %get3A_6 = vector.shape_cast %get3A_5 : vector<1x2048x512xbf16> to vector<2048x512xbf16>
    %dot_general3A = arith.constant dense<0.000000e+00> : vector<128x512xf32>
    %dot_general3A_7 = tpu.matmul %get3A_1, %get3A_6, %dot_general3A {dimension_numbers = #tpu.dot_dimension_numbers<[1], [0], [0], [1], [0, 0, 1, 1], [], []>, transpose_lhs_hint = false} : vector<128x2048xbf16>, vector<2048x512xbf16>, vector<128x512xf32> -> vector<128x512xf32>
    %swap3A = arith.constant 0 : index
    %swap3A_8 = arith.constant 0 : index
    %swap3A_9 = vector.load %arg5[%swap3A, %swap3A_8] : memref<128x512xf32, #tpu.memory_space<vmem>>, vector<128x512xf32>
    tpu.vector_store %arg5[%swap3A, %swap3A_8], %dot_general3A_7 {strides = array<i32>} : memref<128x512xf32, #tpu.memory_space<vmem>>, vector<128x512xf32>,
    return
  }
  func.func @transform_0(%arg0: i32, %arg1: i32, %arg2: memref<40xi32, #tpu.memory_space<smem>>) -> (i32, i32) {
    %c0_i32 = arith.constant 0 : i32
    %c0_i32_0 = arith.constant 0 : i32
    return %arg1, %c0_i32 : i32, i32
  }
  func.func @transform_1(%arg0: i32, %arg1: i32, %arg2: memref<40xi32, #tpu.memory_space<smem>>) -> (i32, i32, i32) {
    %get3A = arith.index_cast %arg1 : i32 to index
    %get3A_0 = memref.load %arg2[%get3A] : memref<40xi32, #tpu.memory_space<smem>>
    %c0_i32 = arith.constant 0 : i32
    %c0_i32_1 = arith.constant 0 : i32
    return %get3A_0, %c0_i32, %arg0 : i32, i32, i32
  }
  func.func @transform_2(%arg0: i32, %arg1: i32, %arg2: memref<40xi32, #tpu.memory_space<smem>>) -> (i32, i32) {
    %c0_i32 = arith.constant 0 : i32
    return %arg1, %arg0 : i32, i32
  }
}

</mosaic_0001>

<sc_bundles>
// kernel: gather_offload_async_start.1
scs
__scs_entry_jumppad:
0x0: {  	(pc) =	sbr.rel $0x88, $3  }
0x1: {  	(tag) =	ssettag $0x0;
	lr =	simm.s32 $0x1  }
0x2: {  	[smem:$0x3F94] =	sst lr;
	_ =	strace $0xD0000000  }
0x3: {  	_ = 	snop  }
0x4: {  	_ = 	snop  }
0x5: {  	_ = 	snop  }
0x6: {  	_ = 	snop  }
0x7: {  	_ = 	snop  }
__scs_overlays_trampoline_lowered:
0x8: {  	[smem:$0x3FA3] =	sst s0  }
0x9: {  	[smem:$0x3FA4] =	sst s1  }
0xa: {  	[smem:$0x3FA5] =	sst s2  }
0xb: {  	[smem:$0x3FA6] =	sst s3  }
0xc: {  	[smem:$0x3FA7] =	sst s4  }
0xd: {  	[smem:$0x3FA8] =	sst s5  }
0xe: {  	[smem:$0x3FA9] =	sst s6  }
0xf: {  	[smem:$0x3FAA] =	sst s7  }
0x10: {  	[smem:$0x3FAB] =	sst s8  }
0x11: {  	[smem:$0x3FAC] =	sst s9;
	s0 =	simm.s32 @!p0 $0x0  }
0x12: {  	s1 =	sld [smem:$0x3F92];
	s0 =	simm.s32 @p0 $0x1  }
0x13: {  	[smem:$0x3FAD] =	sst s0;
	s0 =	simm.s32 @!p1 $0x0  }
0x14: {  	s2 =	sld [smem:$0x3F91];
	s0 =	simm.s32 @p1 $0x1  }
0x15: {  	[smem:$0x3FAE] =	sst s0;
	s0 =	simm.s32 @!p2 $0x0  }
0x16: {  	s3 =	sld [smem:$0x3FDB];
	s0 =	simm.s32 @p2 $0x1  }
0x17: {  	s4 =	simm.s32 $0x1BF5;
	[smem:$0x3FB0] =	sst s0  }
0x18: {  	s0 =	sld [smem:$0x3F93];
	_ =	swait.ge [sflag:s4], $0x0  }
0x19: {  	s7 =	sld [smem:$0x3F94]  }
0x1a: {  	s8 =	sadd.s32 $0xFFFFE003, lr  }
0x1b: {  	s9 =	sadd.s32 $0xFFFFFEF7, lr;
	s5 =	simm.s32 $0xFFFFFFFF;
	p2 =	slt.u32 s8, $0xFFFFF086  }
0x1c: {  	p1 =	slt.u32 s9, $0xF7A;
	s5 =	simm.s32 @!p2 $0x0  }
0x1d: {  	s5 =	simm.s32 @p1 $0x1;
	p0 =	seq.s32 s7, s2  }
0x1e: {  	s7 =	smul.u32 @!p0 $0xF7A, s2;
	p2 =	seq.s32 @!p0 s5, $0x0  }
0x1f: {  	s9 =	smul.u32 $0xF7A, s1;
	s8 =	simm.s32 @!p0 $0x1BF5;
	p2 =	por !p2, p0  }
0x20: {  	[sflag:s8] =	ssyncset.s32 @!p0 $0xFFFFF086;
	s6 =	sadd.s32 @!p0 s3, s7;
	s7 =	simm.s32 @!p0 $0x108  }
0x21: {  	s3 =	sadd.s32 s3, s9;
	s6 =	sadd.s32 @!p0 $0x88, s6;
	s7 =	simm.s32 @p2 $0x1082  }
0x22: {  	[simem:s7], [sflag:s8] =	dma.local @!p0 [hbm:s6], $0xF7A  }
0x23: {  	s9 =	sor.u32 $0xD0000000, s2;
	s6 =	simm.s32 $0x108;
	_ =	swait.ge @!p0 [sflag:s8], $0x0  }
0x24: {  	s3 =	sadd.s32 $0x88, s3;
	s6 =	simm.s32 @!p1 $0x1082;
	[sflag:s4] =	ssyncset.s32 $0xFFFFF086  }
0x25: {  	[simem:s6], [sflag:s4] =	dma.local [hbm:s3], $0xF7A  }
0x26: {  	[smem:$0x3F94] =	sst s1;
	(tag) =	ssettag s2;
	_ =	strace s9  }
0x27: {  	s1 =	sld [smem:$0x3FA4]  }
0x28: {  	s2 =	sld [smem:$0x3FA5]  }
0x29: {  	s4 =	sld [smem:$0x3FA7]  }
0x2a: {  	p0 =	seq.s32 s5, $0x0;
	s5 =	sld [smem:$0x3FA8]  }
0x2b: {  	s6 =	sld [smem:$0x3FA9]  }
0x2c: {  	s7 =	sld [smem:$0x3FAA]  }
0x2d: {  	s3 =	simm.s32 $0x108;
	s8 =	sld [smem:$0x3FAB]  }
0x2e: {  	s3 =	simm.s32 @!p0 $0x1082;
	s9 =	sld [smem:$0x3FAC]  }
0x2f: {  	lr =	sadd.s32 s0, s3;
	s0 =	sld [smem:$0x3FA3]  }
0x30: {  	s3 =	sld [smem:$0x3FA6]  }
0x31: {  	[smem:$0x3FAF] =	sst s10  }
0x32: {  	s10 =	sld [smem:$0x3FAD];
	_ =	sdelay $0x3  }
0x33: {  	p0 =	seq.s32 s10, $0x1;
	s10 =	sld [smem:$0x3FAF];
	_ =	sdelay $0x3  }
0x34: {  	[smem:$0x3FAF] =	sst s10  }
0x35: {  	s10 =	sld [smem:$0x3FAE];
	_ =	sdelay $0x3  }
0x36: {  	p1 =	seq.s32 s10, $0x1;
	s10 =	sld [smem:$0x3FAF];
	_ =	sdelay $0x3  }
0x37: {  	[smem:$0x3FAF] =	sst s10  }
0x38: {  	s10 =	sld [smem:$0x3FB0]  }
0x39: {  	_ = 	snop;
	(pc) =	sbr.ind lr, $3  }
0x3a: {  	_ = 	snop  }
0x3b: {  	_ = 	snop  }
0x3c: {  	p2 =	seq.s32 s10, $0x1;
	s10 =	sld [smem:$0x3FAF]  }
0x3d: {  	_ =	shalt  }
0x3e: {  	_ =	shalt  }
0x3f: {  	_ =	shalt  }
0x40: {  	_ =	shalt  }
0x41: {  	_ =	shalt  }
0x42: {  	_ =	shalt  }
0x43: {  	_ =	shalt  }
0x44: {  	_ =	shalt  }
0x45: {  	_ =	shalt  }
0x46: {  	_ =	shalt  }
0x47: {  	_ =	shalt  }
0x48: {  	_ =	shalt  }
0x49: {  	_ =	shalt  }
0x4a: {  	_ =	shalt  }
0x4b: {  	_ =	shalt  }
0x4c: {  	_ =	shalt  }
0x4d: {  	_ =	shalt  }
0x4e: {  	_ =	shalt  }
0x4f: {  	_ =	shalt  }
0x50: {  	_ =	shalt  }
0x51: {  	_ =	shalt  }
0x52: {  	_ =	shalt  }
0x53: {  	_ =	shalt  }
0x54: {  	_ =	shalt  }
0x55: {  	_ =	shalt  }
0x56: {  	_ =	shalt  }
0x57: {  	_ =	shalt  }
0x58: {  	_ =	shalt  }
0x59: {  	_ =	shalt  }
0x5a: {  	_ =	shalt  }
0x5b: {  	_ =	shalt  }
0x5c: {  	_ =	shalt  }
0x5d: {  	_ =	shalt  }
0x5e: {  	_ =	shalt  }
0x5f: {  	_ =	shalt  }
0x60: {  	_ =	shalt  }
0x61: {  	_ =	shalt  }
0x62: {  	_ =	shalt  }
0x63: {  	_ =	shalt  }
0x64: {  	_ =	shalt  }
0x65: {  	_ =	shalt  }
0x66: {  	_ =	shalt  }
0x67: {  	_ =	shalt  }
0x68: {  	_ =	shalt  }
0x69: {  	_ =	shalt  }
0x6a: {  	_ =	shalt  }
0x6b: {  	_ =	shalt  }
0x6c: {  	_ =	shalt  }
0x6d: {  	_ =	shalt  }
0x6e: {  	_ =	shalt  }
0x6f: {  	_ =	shalt  }
0x70: {  	_ =	shalt  }
0x71: {  	_ =	shalt  }
0x72: {  	_ =	shalt  }
0x73: {  	_ =	shalt  }
0x74: {  	_ =	shalt  }
0x75: {  	_ =	shalt  }
0x76: {  	_ =	shalt  }
0x77: {  	_ =	shalt  }
0x78: {  	_ =	shalt  }
0x79: {  	_ =	shalt  }
0x7a: {  	_ =	shalt  }
0x7b: {  	_ =	shalt  }
0x7c: {  	_ =	shalt  }
0x7d: {  	_ =	shalt  }
0x7e: {  	_ =	shalt  }
0x7f: {  	_ =	shalt  }
0x80: {  	_ =	shalt  }
0x81: {  	_ =	shalt  }
0x82: {  	_ =	shalt  }
0x83: {  	_ =	shalt  }
0x84: {  	_ =	shalt  }
0x85: {  	_ =	shalt  }
0x86: {  	_ =	shalt  }
0x87: {  	_ =	shalt  }
.Lfunc_end0:
.L_simem_size_0:
called_computation.1_lowered:
.L_overlay_start_0:
0x88: {  	s2 =	sld [smem:$0x3FD9]  }
0x89: {  	s3 =	sld [smem:$0x3FFE];
	_ =	sdelay $0x1  }
0x8a: {  	s1 =	srdreg.scid  }
0x8b: {  	s0 =	sand.u32 $0x1, s1  }
0x8c: {  	s16 =	sshll.u32 s0, $0xA;
	s2 =	sadd.s32 s3, s2  }
0x8d: {  	s2 =	sadd.s32 s2, s16  }
0x8e: {  	[smem:$0x3FBB] =	sst s2  }
0x8f: {  	_ = 	snop  }
0x90: {  	(tm) =	ssettm $0x1  }
0x91: {  	s17 =	sld [smem:$0x3FFB];
	_ =	sdelay $0x3  }
0x92: {  	_ =	strace s17  }
0x93: {  	s2 =	sld [smem:$0x3FFC];
	_ =	sdelay $0x3  }
0x94: {  	_ =	strace s2  }
0x95: {  	s2 =	sld [smem:$0x3FFD];
	_ =	sdelay $0x3  }
0x96: {  	_ =	strace s2  }
0x97: {  	_ =	strace $0x8FFFFFFF  }
0x98: {  	s18 =	sld [smem:$0x3FDB];
	_ =	sdelay $0x1  }
0x99: {  	s19 =	simm.s32 $_scs_section_size  }
0x9a: {  	s4 =	simm.s32 $_size__tile_overlayer_lowered;
	s5 =	simm.s32 $_tile_overlayer_lowered  }
0x9b: {  	s22 =	simm.s32 $0x1BFF;
	s21 =	sshll.u32 s5, $0x1;
	s2 =	sadd.s32 s19, s18  }
0x9c: {  	s6 =	simm.s32 $0x0;
	s20 =	sshll.u32 s4, $0x1;
	s4 =	sadd.s32 s21, s2  }
0x9d: {  	[timem:s6], [sflag:s22] =	dma.local [hbm:s4], s20  }
0x9e: {  	_ =	swait.ge [sflag:s22], s20  }
0x9f: {  	s3 =	ssub.s32 $0x0, s20;
	[sflag:s22] =	ssyncset.done $0x0  }
0xa0: {  	[sflag:s22] =	ssyncadd.s32 s3;
	_ =	sdelay $0x1  }
0xa1: {  	s23 =	simm.s32 $0x1B8B  }
0xa2: {  	_ =	swait.ge [sflag:s23], $0x1  }
0xa3: {  	[sflag:s23] =	ssyncset.done $0x0  }
0xa4: {  	s25 =	simm.s32 $0x1B8E;
	s24 =	sld [smem:$0x3FFE];
	[sflag:s23] =	ssyncadd.s32 $0xFFFFFFFF  }
0xa5: {  	s26 =	simm.s32 $execute0_lowered;
	[smem:$0x3FD2] =	sst s25  }
0xa6: {  	s4 =	sshll.u32 s26, $0x1;
	_ =	strace $0x80000049;
	[dreg:$0x1] =	wrdreg $0xFFFFFFFF  }
0xa7: {  	s28 =	simm.s32 $_size_execute0_lowered;
	s2 =	sadd.s32 s2, s4;
	[dreg:$0x0] =	wrdreg $0x0  }
0xa8: {  	s4 =	sshll.u32 s28, $0x1;
	[dreg:$0x2] =	wrdreg s2  }
0xa9: {  	[dreg:$0x3] =	wrdreg s4  }
0xaa: {  	[dreg:$0x4] =	wrdreg $0xC0  }
0xab: {  	_ =	task [dreg:s6], $0x5FFFF  }
0xac: {  	[dreg:$0x1] =	wrdreg $0xFFFFFFFF  }
0xad: {  	[dreg:$0x0] =	wrdreg $0x60  }
0xae: {  	[dreg:$0x2] =	wrdreg s24  }
0xaf: {  	[dreg:$0x3] =	wrdreg $0xA  }
0xb0: {  	_ =	task.clear_ibuf [dreg:s6], $0x4FFFF;
	_ =	strace $0x90000049  }
0xb1: {  	s29 =	simm.s32 $0xA;
	_ =	strace $0x8000004B  }
0xb2: {  	_ =	swait.ge [sflag:s29], $0x1  }
0xb3: {  	[sflag:s29] =	ssyncadd.s32 $0xFFFFFFFF  }
0xb4: {  	_ =	strace $0x9000004B  }
0xb5: {  	_ =	sfence  }
0xb6: {  	s30 =	sld [smem:$0x0];
	_ =	sdelay $0x2  }
0xb7: {  	s31 =	sshll.u32 s1, $0xD;
	s1 =	sshrl.u32 s1, $0x2  }
0xb8: {  	s3 =	sand.u32 $0x4000, s31;
	s1 =	sadd.s32 s1, s30  }
0xb9: {  	s0 =	sor.u32 s3, s0;
	s1 =	sshll.u32 s1, $0x11  }
0xba: {  	s0 =	sor.u32 s1, s0  }
0xbb: {  	s0 =	sadd.s32 $0x8F2B, s0  }
0xbc: {  	[sflag:s0] =	ssyncadd.remote.s32 $0x1  }
0xbd: {  	_ =	sfence.sel $0xFFFF  }
0xbe: {  	[dreg:$0x0] =	wrdreg $0xFFFFFFFF;
	(pc) =	sbr.abs _section_cstart, $3  }
0xbf: {  	[dreg:$0x1] =	wrdreg $0xFFFFFFFF  }
0xc0: {  	_ =	task.clear_ibuf [dreg:s6], $0x2FFFF;
	_ =	strace $0x9FFFFFFF  }
0xc1: {  	(tm) =	ssettm $0x7FFFFFFF  }
tec
execute0_lowered:
.L_overlay_start_1:
0x0: {  	(tag) =	ssettag $0x1  }
0x1: {  	s7 =	rddreg [dreg:$0x0]  }
0x2: {  	s0 =	rddreg [dreg:$0x1];
	_ =	strace $0x8000004A  }
0x3: {  	s1 =	srdreg.scid;
	s4 =	simm.s32 $0x1;
	s9 =	simm.s32 $0x3  }
0x4: {  	s11 =	simm.s32 $0x0;
	p0 =	por $0x0, $0x0;
	s5 =	sshll.u32 s1, $0x4  }
.Ltmp0:
0x5: {  	s1 =	stileid.u32;
	s5 =	sand.u32 $0x10, s5;
	(pc) =	sbr.rel .LBB2_1-.Ltmp0, $4  }
0x6: {  	s2 =	sadd.s32 $0x40400, s7;
	s3 =	sadd.s32 $0x250600, s7;
	s6 =	sor.u32 s1, s5  }
0x7: {  	[sflag:s4] =	ssyncpa.u1 $0x0;
	s5 =	simm.s32 $0x2;
	s6 =	sshll.u32 s6, $0x6  }
0x8: {  	s7 =	sadd.s32 $0xE0400, s7;
	[sflag:s5] =	ssyncpa.u1 $0x0;
	s8 =	sadd.s32 $0x40, s6  }
0x9: {  	vm0 =	vmmov $0xff;
	vm1 =	vcmask $0x3F20;
	[sflag:s9] =	ssyncpa.u1 $0x0;
	s10 =	smov.u32 s6;
	s9 =	simm.s32 $0x0  }
.LBB2_9:
0xa: {  	p1 =	slt.u32 s9, $0x2;
	s11 =	sadd.s32 $0x20, s10  }
0xb: {  	s13 =	smov.u32 s6;
	s9 =	sadd.s32 $0x1, s9;
	p2 =	slt.s32 s11, s8  }
0xc: {  	s13 =	smov.u32 @p2 s11;
	p2 =	sne.s32 s9, $0x4  }
.Ltmp1:
0xd: {  	_ = 	snop;
	(pc) =	sbr.rel @!p2 .LBB2_10-.Ltmp1, $4  }
0xe: {  	s12 =	simm.s32 @!p1 $0x3  }
0xf: {  	_ =	swait.ge @!p1 [sflag:s12], $0x8000  }
0x10: {  	p0 =	por !p0, !p0;
	[sflag:s12] =	ssyncset.done @!p1 $0x0  }
0x11: {  	s11 =	smov.u32 s10;
	s10 =	smov.u32 s13;
	[sflag:s12] =	ssyncadd.s32 @!p1 $0xFFFF8000  }
.LBB2_1:
0x12: {  	p1 =	sgt.u32 s9, $0x1  }
0x13: {  	s12 =	sshll.u32 @!p1 s9, $0x5;
	s13 =	sshrl.u32 @!p1 s10, $0x3  }
0x14: {  	s14 =	sand.u32 @!p1 $0x7, s10;
	s12 =	sxor.u32 @!p1 $0x20, s12;
	s13 =	sadd.s32 @!p1 s3, s13  }
0x15: {  	[tilespmem:s12], [sflag:$0x2] =	stream.linear.gather @!p1 [hbm4b:s13+s14], $0x20, $0x38;
	[tilespmem:$0x10040] =	vst v63  }
0x16: {  	p1 =	seq.s32 s9, $0x0  }
0x17: {  	p2 =	seq.s32 @!p1 s9, $0x3  }
0x18: {  	p1 =	por p1, p2  }
.Ltmp2:
0x19: {  	_ = 	snop;
	(pc) =	sbr.rel @p1 .LBB2_9-.Ltmp2, $1  }
0x1a: {  	_ =	sdelay $0x3  }
0x1b: {  	s12 =	simm.s32 $0x1  }
0x1c: {  	_ =	swait.ge [sflag:s5], $0x20;
	s13 =	sand.u32 $0x1, s9;
	s12 =	simm.s32 @!p0 $0x0  }
0x1d: {  	s15 =	simm.s32 $0x0;
	p2 =	por $0x1, $0x1;
	s12 =	sshll.u32 s12, $0x11  }
0x1e: {  	[sflag:s5] =	ssyncset.done $0x0;
	s13 =	sshll.u32 s13, $0x5;
	s14 =	sshrl.u32 s12, $0x2  }
0x1f: {  	[sflag:s5] =	ssyncadd.s32 $0xFFFFFFE0;
	s12 =	sor.u32 $0x40, s14;
	s14 =	sadd.s32 $0x40, s14  }
.LBB2_3:
0x20: {  	s16 =	sshll.u32 s15, $0x4  }
0x21: {  	s16 =	sand.u32 $0x3FFFFFF0, s16  }
0x22: {  	s16 =	sadd.s32 s16, s13  }
0x23: {  	v0 =	vld.msk [tilespmem:s16+$0x0 ss:$0x1], $0xffff;
	_ =	sdelay $0x4  }
0x24: {  	vm2 =	vgt.s32 v0, $0x0  }
0x25: {  	v0 =	vnsel vm2, $0x0, v0  }
0x26: {  	v0 =	vmin.u32 v0, $0x13FF  }
0x27: {  	v1 =	vshll.u32 v0, $0x7;
	v0 =	vshll.u32 v0, $0x4  }
0x28: {  	v1 =	vand.u32 $0xFFC00, v1;
	v0 =	vand.u32 $0x70, v0  }
0x29: {  	v0 =	vor.u32 v0, v1  }
0x2a: {  	s31 =	sshll.u32 s15, $0x10  }
0x2b: {  	s15 =	sshra.s32 s31, $0x2  }
0x2c: {  	s15 =	sadd.s32 s15, s14  }
0x2d: {  	s17 =	sadd.s32 $0x0, s15  }
0x2e: {  	[tilespmem:s17], [sflag:$0x1] =	stream.indirect_vreg.gather [hbm:s2], $0x80, v0, vm0, $0x38;
	[tilespmem:$0x10040] =	vst v63  }
0x2f: {  	p1 =	por p2, p2;
	s16 =	simm.s32 $0x1000;
	v1 =	vadd.s32 $0x80, v0;
	s17 =	sadd.s32 $0x2000, s17  }
.LBB2_4:
0x30: {  	[tilespmem:s17], [sflag:$0x1] =	stream.indirect_vreg.gather [hbm:s2], $0x80, v0, vm1, $0x38;
	[tilespmem:$0x10040] =	vst v63  }
0x31: {  	v0 =	vmov v1;
	s17 =	smov.u32 s16;
	p2 =	sne.s32 s16, $0x7000  }
.Ltmp3:
0x32: {  	s16 =	sadd.s32 $0x1000, s16;
	(pc) =	sbr.rel @p2 .LBB2_4-.Ltmp3, $4  }
0x33: {  	s17 =	sshra.s32 s17, $0x2  }
0x34: {  	s17 =	sadd.s32 s17, s15  }
0x35: {  	[tilespmem:s17], [sflag:$0x1] =	stream.indirect_vreg.gather [hbm:s2], $0x80, v1, vm0, $0x38;
	[tilespmem:$0x10040] =	vst v63  }
0x36: {  	s17 =	sadd.s32 $0x2000, s17;
	v1 =	vadd.s32 $0x80, v1  }
0x37: {  	_ = 	snop  }
.Ltmp4:
0x38: {  	_ = 	snop;
	(pc) =	sbr.rel @p1 .LBB2_3-.Ltmp4, $3  }
0x39: {  	_ =	sdelay $0x1  }
0x3a: {  	[tilespmem:s17], [sflag:$0x1] =	stream.indirect_vreg.gather [hbm:s2], $0x80, v0, vm1, $0x38;
	[tilespmem:$0x10040] =	vst v63  }
0x3b: {  	s15 =	simm.s32 $0x1;
	p2 =	por $0x0, $0x0  }
0x3c: {  	s13 =	sshll.u32 s11, $0x7  }
0x3d: {  	s31 =	sshll.u32 s11, $0x4;
	s13 =	sand.u32 $0xFFFFFC00, s13  }
0x3e: {  	_ =	swait.ge [sflag:s4], $0x8000;
	s11 =	sand.u32 $0x70, s31;
	s13 =	sadd.s32 s13, s7  }
0x3f: {  	s14 =	sadd.s32 $0x2000, s12;
	[sflag:s4] =	ssyncset.done $0x0;
	s11 =	sadd.s32 s11, s13  }
0x40: {  	[sflag:s4] =	ssyncadd.s32 $0xFFFF8000;
	s13 =	simm.s32 $0x400;
	s15 =	sadd.s32 $0x0, s11  }
.LBB2_7:
0x41: {  	[hbm:s15] =	stream.linear.scatter [tilespmem:s12], [sflag:$0x3], $0x2000, $0x38;
	[tilespmem:$0x10040] =	vst v63  }
0x42: {  	s15 =	smov.u32 s13;
	s12 =	smov.u32 s14;
	p1 =	sne.s32 s13, $0xC00  }
.Ltmp5:
0x43: {  	s13 =	sadd.s32 $0x400, s13;
	(pc) =	sbr.rel @p1 .LBB2_7-.Ltmp5, $2  }
0x44: {  	_ =	sdelay $0x2  }
0x45: {  	s14 =	sadd.s32 $0x2000, s14;
	s15 =	sadd.s32 s15, s11  }
.Ltmp6:
0x46: {  	(pc) =	sbr.rel .LBB2_9-.Ltmp6, $2  }
0x47: {  	_ =	sdelay $0x2  }
0x48: {  	[hbm:s15] =	stream.linear.scatter [tilespmem:s12], [sflag:$0x3], $0x2000, $0x38;
	[tilespmem:$0x10040] =	vst v63  }
.LBB2_10:
0x49: {  	_ =	sfence.sel $0x180000  }
0x4a: {  	s2 =	simm.s32 $0x2;
	[bflag:$0x0] =	sbarrier.arrive $0xFFFF  }
0x4b: {  	s30 =	simm.s32 $0x3;
	[sflag:s2] =	ssyncpa.u1 $0x1  }
0x4c: {  	s31 =	simm.s32 $0x1;
	[sflag:s30] =	ssyncpa.u1 $0x1  }
0x4d: {  	[sflag:s31] =	ssyncpa.u1 $0x1  }
0x4e: {  	p0 =	sne.s32 s1, $0x0;
	_ =	strace $0x9000004A  }
0x4f: {  	s0 =	sadd.s32 @!p0 $0x100000, s0;
	[bflag:$0x2] =	sbarrier.arrive $0xFFFF  }
0x50: {  	[sflag:s0] =	ssyncadd.tile.s32 @!p0 $0x1;
	_ =	shalt  }
.Lfunc_end2:
_tile_overlayer_lowered:
.L_overlay_start_2:
0x51: {  	(tag) =	ssettag $0x2  }
0x52: {  	s0 =	rddreg [dreg:$0x0];
	s2 =	stileid.u32  }
0x53: {  	s1 =	rddreg [dreg:$0x1];
	p0 =	sne.s32 s2, $0x0  }
0x54: {  	s3 =	rddreg [dreg:$0x2];
	[bflag:$0x3] =	sbarrier.arrive $0xFFFF;
	s2 =	simm.s32 @!p0 $0x1C01  }
0x55: {  	[timem:s3], [sflag:s2] =	dma.local @!p0 [hbm:s0], s1  }
0x56: {  	s0 =	simm.s32 @!p0 $0x1  }
0x57: {  	_ =	swait.ge @!p0 [sflag:s0], s1  }
0x58: {  	s1 =	ssub.s32 @!p0 $0x0, s1;
	[sflag:s0] =	ssyncset.done @!p0 $0x0  }
0x59: {  	[sflag:s0] =	ssyncadd.s32 @!p0 s1  }
0x5a: {  	[bflag:$0x3] =	sbarrier.arrive $0xFFFF  }
0x5b: {  	_ =	shalt  }

// kernel: gather_offload_async_start.2
scs
__scs_entry_jumppad:
0x0: {  	(pc) =	sbr.rel $0x88, $3  }
0x1: {  	(tag) =	ssettag $0x0;
	lr =	simm.s32 $0x1  }
0x2: {  	[smem:$0x3F94] =	sst lr;
	_ =	strace $0xD0000000  }
0x3: {  	_ = 	snop  }
0x4: {  	_ = 	snop  }
0x5: {  	_ = 	snop  }
0x6: {  	_ = 	snop  }
0x7: {  	_ = 	snop  }
__scs_overlays_trampoline_lowered:
0x8: {  	[smem:$0x3FA3] =	sst s0  }
0x9: {  	[smem:$0x3FA4] =	sst s1  }
0xa: {  	[smem:$0x3FA5] =	sst s2  }
0xb: {  	[smem:$0x3FA6] =	sst s3  }
0xc: {  	[smem:$0x3FA7] =	sst s4  }
0xd: {  	[smem:$0x3FA8] =	sst s5  }
0xe: {  	[smem:$0x3FA9] =	sst s6  }
0xf: {  	[smem:$0x3FAA] =	sst s7  }
0x10: {  	[smem:$0x3FAB] =	sst s8  }
0x11: {  	[smem:$0x3FAC] =	sst s9;
	s0 =	simm.s32 @!p0 $0x0  }
0x12: {  	s1 =	sld [smem:$0x3F92];
	s0 =	simm.s32 @p0 $0x1  }
0x13: {  	[smem:$0x3FAD] =	sst s0;
	s0 =	simm.s32 @!p1 $0x0  }
0x14: {  	s2 =	sld [smem:$0x3F91];
	s0 =	simm.s32 @p1 $0x1  }
0x15: {  	[smem:$0x3FAE] =	sst s0;
	s0 =	simm.s32 @!p2 $0x0  }
0x16: {  	s3 =	sld [smem:$0x3FDB];
	s0 =	simm.s32 @p2 $0x1  }
0x17: {  	s4 =	simm.s32 $0x1BF5;
	[smem:$0x3FB0] =	sst s0  }
0x18: {  	s0 =	sld [smem:$0x3F93];
	_ =	swait.ge [sflag:s4], $0x0  }
0x19: {  	s7 =	sld [smem:$0x3F94]  }
0x1a: {  	s8 =	sadd.s32 $0xFFFFE003, lr  }
0x1b: {  	s9 =	sadd.s32 $0xFFFFFEF7, lr;
	s5 =	simm.s32 $0xFFFFFFFF;
	p2 =	slt.u32 s8, $0xFFFFF086  }
0x1c: {  	p1 =	slt.u32 s9, $0xF7A;
	s5 =	simm.s32 @!p2 $0x0  }
0x1d: {  	s5 =	simm.s32 @p1 $0x1;
	p0 =	seq.s32 s7, s2  }
0x1e: {  	s7 =	smul.u32 @!p0 $0xF7A, s2;
	p2 =	seq.s32 @!p0 s5, $0x0  }
0x1f: {  	s9 =	smul.u32 $0xF7A, s1;
	s8 =	simm.s32 @!p0 $0x1BF5;
	p2 =	por !p2, p0  }
0x20: {  	[sflag:s8] =	ssyncset.s32 @!p0 $0xFFFFF086;
	s6 =	sadd.s32 @!p0 s3, s7;
	s7 =	simm.s32 @!p0 $0x108  }
0x21: {  	s3 =	sadd.s32 s3, s9;
	s6 =	sadd.s32 @!p0 $0x88, s6;
	s7 =	simm.s32 @p2 $0x1082  }
0x22: {  	[simem:s7], [sflag:s8] =	dma.local @!p0 [hbm:s6], $0xF7A  }
0x23: {  	s9 =	sor.u32 $0xD0000000, s2;
	s6 =	simm.s32 $0x108;
	_ =	swait.ge @!p0 [sflag:s8], $0x0  }
0x24: {  	s3 =	sadd.s32 $0x88, s3;
	s6 =	simm.s32 @!p1 $0x1082;
	[sflag:s4] =	ssyncset.s32 $0xFFFFF086  }
0x25: {  	[simem:s6], [sflag:s4] =	dma.local [hbm:s3], $0xF7A  }
0x26: {  	[smem:$0x3F94] =	sst s1;
	(tag) =	ssettag s2;
	_ =	strace s9  }
0x27: {  	s1 =	sld [smem:$0x3FA4]  }
0x28: {  	s2 =	sld [smem:$0x3FA5]  }
0x29: {  	s4 =	sld [smem:$0x3FA7]  }
0x2a: {  	p0 =	seq.s32 s5, $0x0;
	s5 =	sld [smem:$0x3FA8]  }
0x2b: {  	s6 =	sld [smem:$0x3FA9]  }
0x2c: {  	s7 =	sld [smem:$0x3FAA]  }
0x2d: {  	s3 =	simm.s32 $0x108;
	s8 =	sld [smem:$0x3FAB]  }
0x2e: {  	s3 =	simm.s32 @!p0 $0x1082;
	s9 =	sld [smem:$0x3FAC]  }
0x2f: {  	lr =	sadd.s32 s0, s3;
	s0 =	sld [smem:$0x3FA3]  }
0x30: {  	s3 =	sld [smem:$0x3FA6]  }
0x31: {  	[smem:$0x3FAF] =	sst s10  }
0x32: {  	s10 =	sld [smem:$0x3FAD];
	_ =	sdelay $0x3  }
0x33: {  	p0 =	seq.s32 s10, $0x1;
	s10 =	sld [smem:$0x3FAF];
	_ =	sdelay $0x3  }
0x34: {  	[smem:$0x3FAF] =	sst s10  }
0x35: {  	s10 =	sld [smem:$0x3FAE];
	_ =	sdelay $0x3  }
0x36: {  	p1 =	seq.s32 s10, $0x1;
	s10 =	sld [smem:$0x3FAF];
	_ =	sdelay $0x3  }
0x37: {  	[smem:$0x3FAF] =	sst s10  }
0x38: {  	s10 =	sld [smem:$0x3FB0]  }
0x39: {  	_ = 	snop;
	(pc) =	sbr.ind lr, $3  }
0x3a: {  	_ = 	snop  }
0x3b: {  	_ = 	snop  }
0x3c: {  	p2 =	seq.s32 s10, $0x1;
	s10 =	sld [smem:$0x3FAF]  }
0x3d: {  	_ =	shalt  }
0x3e: {  	_ =	shalt  }
0x3f: {  	_ =	shalt  }
0x40: {  	_ =	shalt  }
0x41: {  	_ =	shalt  }
0x42: {  	_ =	shalt  }
0x43: {  	_ =	shalt  }
0x44: {  	_ =	shalt  }
0x45: {  	_ =	shalt  }
0x46: {  	_ =	shalt  }
0x47: {  	_ =	shalt  }
0x48: {  	_ =	shalt  }
0x49: {  	_ =	shalt  }
0x4a: {  	_ =	shalt  }
0x4b: {  	_ =	shalt  }
0x4c: {  	_ =	shalt  }
0x4d: {  	_ =	shalt  }
0x4e: {  	_ =	shalt  }
0x4f: {  	_ =	shalt  }
0x50: {  	_ =	shalt  }
0x51: {  	_ =	shalt  }
0x52: {  	_ =	shalt  }
0x53: {  	_ =	shalt  }
0x54: {  	_ =	shalt  }
0x55: {  	_ =	shalt  }
0x56: {  	_ =	shalt  }
0x57: {  	_ =	shalt  }
0x58: {  	_ =	shalt  }
0x59: {  	_ =	shalt  }
0x5a: {  	_ =	shalt  }
0x5b: {  	_ =	shalt  }
0x5c: {  	_ =	shalt  }
0x5d: {  	_ =	shalt  }
0x5e: {  	_ =	shalt  }
0x5f: {  	_ =	shalt  }
0x60: {  	_ =	shalt  }
0x61: {  	_ =	shalt  }
0x62: {  	_ =	shalt  }
0x63: {  	_ =	shalt  }
0x64: {  	_ =	shalt  }
0x65: {  	_ =	shalt  }
0x66: {  	_ =	shalt  }
0x67: {  	_ =	shalt  }
0x68: {  	_ =	shalt  }
0x69: {  	_ =	shalt  }
0x6a: {  	_ =	shalt  }
0x6b: {  	_ =	shalt  }
0x6c: {  	_ =	shalt  }
0x6d: {  	_ =	shalt  }
0x6e: {  	_ =	shalt  }
0x6f: {  	_ =	shalt  }
0x70: {  	_ =	shalt  }
0x71: {  	_ =	shalt  }
0x72: {  	_ =	shalt  }
0x73: {  	_ =	shalt  }
0x74: {  	_ =	shalt  }
0x75: {  	_ =	shalt  }
0x76: {  	_ =	shalt  }
0x77: {  	_ =	shalt  }
0x78: {  	_ =	shalt  }
0x79: {  	_ =	shalt  }
0x7a: {  	_ =	shalt  }
0x7b: {  	_ =	shalt  }
0x7c: {  	_ =	shalt  }
0x7d: {  	_ =	shalt  }
0x7e: {  	_ =	shalt  }
0x7f: {  	_ =	shalt  }
0x80: {  	_ =	shalt  }
0x81: {  	_ =	shalt  }
0x82: {  	_ =	shalt  }
0x83: {  	_ =	shalt  }
0x84: {  	_ =	shalt  }
0x85: {  	_ =	shalt  }
0x86: {  	_ =	shalt  }
0x87: {  	_ =	shalt  }
.Lfunc_end0:
.L_simem_size_0:
called_computation.2_lowered:
.L_overlay_start_0:
0x88: {  	s2 =	sld [smem:$0x3FD9]  }
0x89: {  	s3 =	sld [smem:$0x3FFE];
	_ =	sdelay $0x1  }
0x8a: {  	s1 =	srdreg.scid  }
0x8b: {  	s0 =	sand.u32 $0x1, s1  }
0x8c: {  	s16 =	sshll.u32 s0, $0xA;
	s2 =	sadd.s32 s3, s2  }
0x8d: {  	s2 =	sadd.s32 s2, s16  }
0x8e: {  	[smem:$0x3FBB] =	sst s2  }
0x8f: {  	_ = 	snop  }
0x90: {  	(tm) =	ssettm $0x1  }
0x91: {  	s17 =	sld [smem:$0x3FFB];
	_ =	sdelay $0x3  }
0x92: {  	_ =	strace s17  }
0x93: {  	s2 =	sld [smem:$0x3FFC];
	_ =	sdelay $0x3  }
0x94: {  	_ =	strace s2  }
0x95: {  	s2 =	sld [smem:$0x3FFD];
	_ =	sdelay $0x3  }
0x96: {  	_ =	strace s2  }
0x97: {  	_ =	strace $0x8FFFFFFF  }
0x98: {  	s18 =	sld [smem:$0x3FDB];
	_ =	sdelay $0x1  }
0x99: {  	s19 =	simm.s32 $_scs_section_size  }
0x9a: {  	s4 =	simm.s32 $_size__tile_overlayer_lowered;
	s5 =	simm.s32 $_tile_overlayer_lowered  }
0x9b: {  	s22 =	simm.s32 $0x1BFF;
	s21 =	sshll.u32 s5, $0x1;
	s2 =	sadd.s32 s19, s18  }
0x9c: {  	s6 =	simm.s32 $0x0;
	s20 =	sshll.u32 s4, $0x1;
	s4 =	sadd.s32 s21, s2  }
0x9d: {  	[timem:s6], [sflag:s22] =	dma.local [hbm:s4], s20  }
0x9e: {  	_ =	swait.ge [sflag:s22], s20  }
0x9f: {  	s3 =	ssub.s32 $0x0, s20;
	[sflag:s22] =	ssyncset.done $0x0  }
0xa0: {  	[sflag:s22] =	ssyncadd.s32 s3;
	_ =	sdelay $0x1  }
0xa1: {  	s23 =	simm.s32 $0x1B8B  }
0xa2: {  	_ =	swait.ge [sflag:s23], $0x1  }
0xa3: {  	[sflag:s23] =	ssyncset.done $0x0  }
0xa4: {  	s25 =	simm.s32 $0x1B8E;
	s24 =	sld [smem:$0x3FFE];
	[sflag:s23] =	ssyncadd.s32 $0xFFFFFFFF  }
0xa5: {  	s26 =	simm.s32 $execute0_lowered;
	[smem:$0x3FD2] =	sst s25  }
0xa6: {  	s4 =	sshll.u32 s26, $0x1;
	_ =	strace $0x80000046;
	[dreg:$0x1] =	wrdreg $0xFFFFFFFF  }
0xa7: {  	s28 =	simm.s32 $_size_execute0_lowered;
	s2 =	sadd.s32 s2, s4;
	[dreg:$0x0] =	wrdreg $0x0  }
0xa8: {  	s4 =	sshll.u32 s28, $0x1;
	[dreg:$0x2] =	wrdreg s2  }
0xa9: {  	[dreg:$0x3] =	wrdreg s4  }
0xaa: {  	[dreg:$0x4] =	wrdreg $0xC0  }
0xab: {  	_ =	task [dreg:s6], $0x5FFFF  }
0xac: {  	[dreg:$0x1] =	wrdreg $0xFFFFFFFF  }
0xad: {  	[dreg:$0x0] =	wrdreg $0x60  }
0xae: {  	[dreg:$0x2] =	wrdreg s24  }
0xaf: {  	[dreg:$0x3] =	wrdreg $0x9  }
0xb0: {  	_ =	task.clear_ibuf [dreg:s6], $0x4FFFF;
	_ =	strace $0x90000046  }
0xb1: {  	s29 =	simm.s32 $0x9;
	_ =	strace $0x80000048  }
0xb2: {  	_ =	swait.ge [sflag:s29], $0x1  }
0xb3: {  	[sflag:s29] =	ssyncadd.s32 $0xFFFFFFFF  }
0xb4: {  	_ =	strace $0x90000048  }
0xb5: {  	_ =	sfence  }
0xb6: {  	s30 =	sld [smem:$0x0];
	_ =	sdelay $0x2  }
0xb7: {  	s31 =	sshll.u32 s1, $0xD;
	s1 =	sshrl.u32 s1, $0x2  }
0xb8: {  	s3 =	sand.u32 $0x4000, s31;
	s1 =	sadd.s32 s1, s30  }
0xb9: {  	s0 =	sor.u32 s3, s0;
	s1 =	sshll.u32 s1, $0x11  }
0xba: {  	s0 =	sor.u32 s1, s0  }
0xbb: {  	s0 =	sadd.s32 $0x8F2B, s0  }
0xbc: {  	[sflag:s0] =	ssyncadd.remote.s32 $0x1  }
0xbd: {  	_ =	sfence.sel $0xFFFF  }
0xbe: {  	[dreg:$0x0] =	wrdreg $0xFFFFFFFF;
	(pc) =	sbr.abs _section_cstart, $3  }
0xbf: {  	[dreg:$0x1] =	wrdreg $0xFFFFFFFF  }
0xc0: {  	_ =	task.clear_ibuf [dreg:s6], $0x2FFFF;
	_ =	strace $0x9FFFFFFF  }
0xc1: {  	(tm) =	ssettm $0x7FFFFFFF  }
tec
execute0_lowered:
.L_overlay_start_1:
0x0: {  	(tag) =	ssettag $0x1  }
0x1: {  	s0 =	srdreg.scid;
	s5 =	rddreg [dreg:$0x0]  }
0x2: {  	s1 =	stileid.u32;
	s6 =	simm.s32 $0x1;
	s9 =	simm.s32 $0x1  }
0x3: {  	s10 =	simm.s32 $0x3;
	s13 =	simm.s32 $0x0;
	s2 =	sshll.u32 s0, $0x6  }
0x4: {  	s12 =	simm.s32 $0x0;
	s3 =	sshll.u32 s1, $0x7;
	s2 =	sand.u32 $0x40, s2  }
0x5: {  	s0 =	rddreg [dreg:$0x1];
	_ =	strace $0x80000047;
	s2 =	sor.u32 s3, s2  }
0x6: {  	s4 =	sadd.s32 $0x40400, s5;
	[sflag:s6] =	ssyncpa.u1 $0x0;
	s8 =	ssub.s32 $0x1000, s2  }
.Ltmp0:
0x7: {  	s3 =	sadd.s32 $0x40600, s5;
	s7 =	sand.u32 $0x7C0, s8;
	(pc) =	sbr.rel .LBB2_1-.Ltmp0, $4  }
0x8: {  	s5 =	sadd.s32 $0x250600, s5;
	s11 =	smov.u32 s2;
	p0 =	sne.s32 s7, $0x0  }
0x9: {  	s8 =	sshrl.u32 s8, $0xB;
	s7 =	simm.s32 $0x2;
	s9 =	simm.s32 @!p0 $0x0  }
0xa: {  	[sflag:s7] =	ssyncpa.u1 $0x0;
	p0 =	por $0x0, $0x0;
	s8 =	sadd.s32 s9, s8  }
0xb: {  	vm0 =	vmmov $0xffff;
	[sflag:s10] =	ssyncpa.u1 $0x0;
	s10 =	simm.s32 $0x0;
	s9 =	sadd.s32 $0x1, s8  }
.LBB2_4:
0xc: {  	v5 =	vshrl.u32 v1, $0xC;
	v6 =	vshll.u32 v1, $0x7  }
0xd: {  	vm1 =	veq.s32 v1, $0x80000000;
	v58 =	vand.u32 $0x7, v5;
	v59 =	vand.u32 $0x7FF80, v6  }
0xe: {  	v1 =	vsel vm1, $0xFFFFFFFF, v58;
	v5 =	vsel vm1, $0xFFFFFF80, v59  }
0xf: {  	v3 =	vor.u32 v4, v3;
	v60 =	vand.u32 $0xFFFFFC00, v5;
	v61 =	vand.u32 $0xFFFFFC00, v1  }
0x10: {  	v2 =	vor.u32 v2, v3;
	v63 =	vand.u32 $0x380, v5;
	v62 =	vadd.s32 v61, v60  }
0x11: {  	v1 =	vand.u32 $0x7F, v1;
	v3 =	vor.u32 v63, v62  }
0x12: {  	v1 =	vor.u32 v1, v3  }
0x13: {  	[tilespmem:s15], [sflag:$0x1] =	stream.indirect_vreg.gather [hbm4b:s3+s10], $0x1, v0, vm0, $0x4038;
	[tilespmem:$0x100] =	vst v63  }
0x14: {  	(ifvalue) =	ssetifvalue $0x7FFFFFFF  }
0x15: {  	[tilespmem:s16], [sflag:$0x1] =	stream.indirect_vreg.gather [hbm4b:s3+s10], $0x1, v2, vm0, $0x4038;
	[tilespmem:$0x100] =	vst v63  }
0x16: {  	s29 =	sadd.s32 $0x10, s16;
	(ifvalue) =	ssetifvalue $0x7FFFFFFF  }
0x17: {  	[tilespmem:s29], [sflag:$0x1] =	stream.indirect_vreg.gather [hbm4b:s3+s10], $0x1, v1, vm0, $0x4038;
	[tilespmem:$0x100] =	vst v63  }
0x18: {  	_ =	swait.ge [sflag:s6], $0x40  }
0x19: {  	s30 =	sshrl.u32 s13, $0x3;
	[sflag:s6] =	ssyncset.done $0x0  }
0x1a: {  	s31 =	sand.u32 $0x7, s13;
	s15 =	sadd.s32 s5, s30;
	[sflag:s6] =	ssyncadd.s32 $0xFFFFFFC0  }
0x1b: {  	[hbm4b:s15+s31] =	stream.linear.scatter [tilespmem:s14], [sflag:$0x3], $0x40, $0x38;
	[tilespmem:$0x100] =	vst v63  }
.LBB2_5:
0x1c: {  	s15 =	sadd.s32 $0x800, s11  }
0x1d: {  	p2 =	sgt.s32 s15, $0xFFF  }
0x1e: {  	s15 =	smov.u32 @p2 s2;
	p2 =	sne.s32 s12, s9  }
.Ltmp1:
0x1f: {  	p1 =	slt.u32 s12, $0x2;
	(pc) =	sbr.rel @!p2 .LBB2_6-.Ltmp1, $4  }
0x20: {  	s14 =	simm.s32 @!p1 $0x3  }
0x21: {  	s16 =	sadd.s32 $0x1, s12;
	_ =	swait.ge @!p1 [sflag:s14], $0x40  }
0x22: {  	s13 =	smov.u32 s11;
	p0 =	por !p0, !p0;
	[sflag:s14] =	ssyncset.done @!p1 $0x0  }
0x23: {  	s12 =	smov.u32 s16;
	s11 =	smov.u32 s15;
	[sflag:s14] =	ssyncadd.s32 @!p1 $0xFFFFFFC0  }
.LBB2_1:
0x24: {  	p1 =	sge.u32 s12, s8  }
0x25: {  	s14 =	sxor.u32 @!p1 $0xFFFFFFFF, s12  }
0x26: {  	s31 =	sadd.s32 $0xFFFFFFFF, s12;
	s15 =	sshrl.u32 @!p1 s11, $0x3;
	s14 =	sshll.u32 @!p1 s14, $0x6  }
0x27: {  	s16 =	sand.u32 @!p1 $0x7, s11;
	s15 =	sadd.s32 @!p1 s4, s15;
	s14 =	sand.u32 @!p1 $0x40, s14  }
0x28: {  	[tilespmem:s14], [sflag:$0x2] =	stream.linear.gather @!p1 [hbm4b:s15+s16], $0x40, $0x38;
	[tilespmem:$0x100] =	vst v63  }
0x29: {  	p1 =	sge.u32 s31, s8  }
.Ltmp2:
0x2a: {  	_ = 	snop;
	(pc) =	sbr.rel @p1 .LBB2_5-.Ltmp2, $1  }
0x2b: {  	_ =	sdelay $0x3  }
0x2c: {  	s14 =	simm.s32 $0x1  }
0x2d: {  	_ =	swait.ge [sflag:s7], $0x40;
	s14 =	simm.s32 @!p0 $0x0  }
0x2e: {  	[sflag:s7] =	ssyncset.done $0x0;
	s14 =	sshll.u32 s14, $0x6  }
0x2f: {  	[sflag:s7] =	ssyncadd.s32 $0xFFFFFFC0;
	(ifvalue) =	ssetifvalue $0x7FFFFFFF;
	v0 =	vld.msk [tilespmem:s14+$0x0 ss:$0x1], $0xffff;
	_ =	sdelay $0x4  }
0x30: {  	s15 =	sadd.s32 $0x10, s14;
	v2 =	vshrl.u32 v0, $0xC;
	v3 =	vshll.u32 v0, $0x7  }
0x31: {  	v1 =	vld.msk [tilespmem:s15+$0x0 ss:$0x1], $0xffff;
	vm1 =	veq.s32 v0, $0x80000000;
	v0 =	vand.u32 $0x7, v2;
	v2 =	vand.u32 $0x7FF80, v3  }
0x32: {  	v0 =	vsel vm1, $0xFFFFFFFF, v0;
	v2 =	vsel vm1, $0xFFFFFF80, v2  }
0x33: {  	v3 =	vand.u32 $0xFFFFFC00, v2;
	v4 =	vand.u32 $0xFFFFFC00, v0  }
0x34: {  	v2 =	vand.u32 $0x380, v2;
	v3 =	vadd.s32 v4, v3  }
0x35: {  	v0 =	vand.u32 $0x7F, v0;
	v2 =	vor.u32 v2, v3  }
0x36: {  	v5 =	vshll.u32 v1, $0x7;
	v4 =	vshrl.u32 v1, $0xC;
	v0 =	vor.u32 v0, v2  }
0x37: {  	s16 =	sshll.u32 s12, $0x6;
	vm1 =	veq.s32 v1, $0x80000000;
	v1 =	vand.u32 $0x7, v4;
	v4 =	vand.u32 $0x7FF80, v5  }
0x38: {  	s16 =	sand.u32 $0x40, s16;
	s18 =	sadd.s32 $0x10, s15;
	v3 =	vsel vm1, $0xFFFFFFFF, v1;
	v4 =	vsel vm1, $0xFFFFFF80, v4  }
0x39: {  	s17 =	simm.s32 $0x20;
	s15 =	sor.u32 $0x80, s14;
	s14 =	sor.u32 $0x80, s16;
	v1 =	vld.msk [tilespmem:s18+$0x0 ss:$0x1], $0xffff;
	v5 =	vand.u32 $0xFFFFFC00, v4;
	v6 =	vand.u32 $0xFFFFFC00, v3  }
0x3a: {  	s16 =	sadd.s32 $0x10, s15;
	s18 =	sadd.s32 $0x10, s18;
	(ifvalue) =	ssetifvalue $0x7FFFFFFF;
	v2 =	vand.u32 $0x7F, v3;
	v4 =	vand.u32 $0x380, v4;
	v3 =	vadd.s32 v6, v5  }
.LBB2_3:
0x3b: {  	[tilespmem:s15], [sflag:$0x1] =	stream.indirect_vreg.gather [hbm4b:s3+s10], $0x1, v0, vm0, $0x4038;
	[tilespmem:$0x100] =	vst v63  }
0x3c: {  	s17 =	sadd.s32 $0x10, s17  }
0x3d: {  	v3 =	vor.u32 v4, v3;
	p1 =	slt.u32 s17, $0x30  }
.Ltmp3:
0x3e: {  	v4 =	vshrl.u32 v1, $0xC;
	v5 =	vshll.u32 v1, $0x7;
	s15 =	smov.u32 s16;
	v0 =	vor.u32 v2, v3;
	v2 =	vmovc v1;
	v1 =	vld.msk [tilespmem:s18+$0x0 ss:$0x1], $0xffff;
	(pc) =	sbr.rel @p1 .LBB2_3-.Ltmp3, $4  }
0x3f: {  	v3 =	vand.u32 $0x7FF80, v5;
	vm1 =	veq.s32 v2, $0x80000000;
	v2 =	vand.u32 $0x7, v4  }
0x40: {  	v4 =	vsel vm1, $0xFFFFFFFF, v2;
	v5 =	vsel vm1, $0xFFFFFF80, v3  }
0x41: {  	v2 =	vand.u32 $0x7F, v4;
	v3 =	vand.u32 $0xFFFFFC00, v5;
	v4 =	vand.u32 $0xFFFFFC00, v4  }
0x42: {  	s16 =	sadd.s32 $0x10, s16;
	s18 =	sadd.s32 $0x10, s18;
	v3 =	vadd.s32 v4, v3;
	v4 =	vand.u32 $0x380, v5;
	(ifvalue) =	ssetifvalue $0x7FFFFFFF  }
.Ltmp4:
0x43: {  	_ = 	snop;
	(pc) =	sbr.rel .LBB2_4-.Ltmp4, $1  }
0x44: {  	_ =	sdelay $0x3  }
.LBB2_6:
0x45: {  	_ =	sfence.sel $0x180000  }
0x46: {  	s2 =	simm.s32 $0x2;
	[bflag:$0x0] =	sbarrier.arrive $0xFFFF  }
0x47: {  	s30 =	simm.s32 $0x3;
	[sflag:s2] =	ssyncpa.u1 $0x1  }
0x48: {  	s31 =	simm.s32 $0x1;
	[sflag:s30] =	ssyncpa.u1 $0x1  }
0x49: {  	[sflag:s31] =	ssyncpa.u1 $0x1  }
0x4a: {  	p0 =	sne.s32 s1, $0x0;
	_ =	strace $0x90000047  }
0x4b: {  	s0 =	sadd.s32 @!p0 $0x100000, s0;
	[bflag:$0x2] =	sbarrier.arrive $0xFFFF  }
0x4c: {  	[sflag:s0] =	ssyncadd.tile.s32 @!p0 $0x1;
	_ =	shalt  }
.Lfunc_end2:
_tile_overlayer_lowered:
.L_overlay_start_2:
0x4d: {  	(tag) =	ssettag $0x2  }
0x4e: {  	s0 =	rddreg [dreg:$0x0];
	s2 =	stileid.u32  }
0x4f: {  	s1 =	rddreg [dreg:$0x1];
	p0 =	sne.s32 s2, $0x0  }
0x50: {  	s3 =	rddreg [dreg:$0x2];
	[bflag:$0x3] =	sbarrier.arrive $0xFFFF;
	s2 =	simm.s32 @!p0 $0x1C01  }
0x51: {  	[timem:s3], [sflag:s2] =	dma.local @!p0 [hbm:s0], s1  }
0x52: {  	s0 =	simm.s32 @!p0 $0x1  }
0x53: {  	_ =	swait.ge @!p0 [sflag:s0], s1  }
0x54: {  	s1 =	ssub.s32 @!p0 $0x0, s1;
	[sflag:s0] =	ssyncset.done @!p0 $0x0  }
0x55: {  	[sflag:s0] =	ssyncadd.s32 @!p0 s1  }
0x56: {  	[bflag:$0x3] =	sbarrier.arrive $0xFFFF  }
0x57: {  	_ =	shalt  }

// kernel: gather_offload_async_start
scs
__scs_entry_jumppad:
0x0: {  	(pc) =	sbr.rel $0x88, $3  }
0x1: {  	(tag) =	ssettag $0x0;
	lr =	simm.s32 $0x1  }
0x2: {  	[smem:$0x3F94] =	sst lr;
	_ =	strace $0xD0000000  }
0x3: {  	_ = 	snop  }
0x4: {  	_ = 	snop  }
0x5: {  	_ = 	snop  }
0x6: {  	_ = 	snop  }
0x7: {  	_ = 	snop  }
__scs_overlays_trampoline_lowered:
0x8: {  	[smem:$0x3FA3] =	sst s0  }
0x9: {  	[smem:$0x3FA4] =	sst s1  }
0xa: {  	[smem:$0x3FA5] =	sst s2  }
0xb: {  	[smem:$0x3FA6] =	sst s3  }
0xc: {  	[smem:$0x3FA7] =	sst s4  }
0xd: {  	[smem:$0x3FA8] =	sst s5  }
0xe: {  	[smem:$0x3FA9] =	sst s6  }
0xf: {  	[smem:$0x3FAA] =	sst s7  }
0x10: {  	[smem:$0x3FAB] =	sst s8  }
0x11: {  	[smem:$0x3FAC] =	sst s9;
	s0 =	simm.s32 @!p0 $0x0  }
0x12: {  	s1 =	sld [smem:$0x3F92];
	s0 =	simm.s32 @p0 $0x1  }
0x13: {  	[smem:$0x3FAD] =	sst s0;
	s0 =	simm.s32 @!p1 $0x0  }
0x14: {  	s2 =	sld [smem:$0x3F91];
	s0 =	simm.s32 @p1 $0x1  }
0x15: {  	[smem:$0x3FAE] =	sst s0;
	s0 =	simm.s32 @!p2 $0x0  }
0x16: {  	s3 =	sld [smem:$0x3FDB];
	s0 =	simm.s32 @p2 $0x1  }
0x17: {  	s4 =	simm.s32 $0x1BF5;
	[smem:$0x3FB0] =	sst s0  }
0x18: {  	s0 =	sld [smem:$0x3F93];
	_ =	swait.ge [sflag:s4], $0x0  }
0x19: {  	s7 =	sld [smem:$0x3F94]  }
0x1a: {  	s8 =	sadd.s32 $0xFFFFE003, lr  }
0x1b: {  	s9 =	sadd.s32 $0xFFFFFEF7, lr;
	s5 =	simm.s32 $0xFFFFFFFF;
	p2 =	slt.u32 s8, $0xFFFFF086  }
0x1c: {  	p1 =	slt.u32 s9, $0xF7A;
	s5 =	simm.s32 @!p2 $0x0  }
0x1d: {  	s5 =	simm.s32 @p1 $0x1;
	p0 =	seq.s32 s7, s2  }
0x1e: {  	s7 =	smul.u32 @!p0 $0xF7A, s2;
	p2 =	seq.s32 @!p0 s5, $0x0  }
0x1f: {  	s9 =	smul.u32 $0xF7A, s1;
	s8 =	simm.s32 @!p0 $0x1BF5;
	p2 =	por !p2, p0  }
0x20: {  	[sflag:s8] =	ssyncset.s32 @!p0 $0xFFFFF086;
	s6 =	sadd.s32 @!p0 s3, s7;
	s7 =	simm.s32 @!p0 $0x108  }
0x21: {  	s3 =	sadd.s32 s3, s9;
	s6 =	sadd.s32 @!p0 $0x88, s6;
	s7 =	simm.s32 @p2 $0x1082  }
0x22: {  	[simem:s7], [sflag:s8] =	dma.local @!p0 [hbm:s6], $0xF7A  }
0x23: {  	s9 =	sor.u32 $0xD0000000, s2;
	s6 =	simm.s32 $0x108;
	_ =	swait.ge @!p0 [sflag:s8], $0x0  }
0x24: {  	s3 =	sadd.s32 $0x88, s3;
	s6 =	simm.s32 @!p1 $0x1082;
	[sflag:s4] =	ssyncset.s32 $0xFFFFF086  }
0x25: {  	[simem:s6], [sflag:s4] =	dma.local [hbm:s3], $0xF7A  }
0x26: {  	[smem:$0x3F94] =	sst s1;
	(tag) =	ssettag s2;
	_ =	strace s9  }
0x27: {  	s1 =	sld [smem:$0x3FA4]  }
0x28: {  	s2 =	sld [smem:$0x3FA5]  }
0x29: {  	s4 =	sld [smem:$0x3FA7]  }
0x2a: {  	p0 =	seq.s32 s5, $0x0;
	s5 =	sld [smem:$0x3FA8]  }
0x2b: {  	s6 =	sld [smem:$0x3FA9]  }
0x2c: {  	s7 =	sld [smem:$0x3FAA]  }
0x2d: {  	s3 =	simm.s32 $0x108;
	s8 =	sld [smem:$0x3FAB]  }
0x2e: {  	s3 =	simm.s32 @!p0 $0x1082;
	s9 =	sld [smem:$0x3FAC]  }
0x2f: {  	lr =	sadd.s32 s0, s3;
	s0 =	sld [smem:$0x3FA3]  }
0x30: {  	s3 =	sld [smem:$0x3FA6]  }
0x31: {  	[smem:$0x3FAF] =	sst s10  }
0x32: {  	s10 =	sld [smem:$0x3FAD];
	_ =	sdelay $0x3  }
0x33: {  	p0 =	seq.s32 s10, $0x1;
	s10 =	sld [smem:$0x3FAF];
	_ =	sdelay $0x3  }
0x34: {  	[smem:$0x3FAF] =	sst s10  }
0x35: {  	s10 =	sld [smem:$0x3FAE];
	_ =	sdelay $0x3  }
0x36: {  	p1 =	seq.s32 s10, $0x1;
	s10 =	sld [smem:$0x3FAF];
	_ =	sdelay $0x3  }
0x37: {  	[smem:$0x3FAF] =	sst s10  }
0x38: {  	s10 =	sld [smem:$0x3FB0]  }
0x39: {  	_ = 	snop;
	(pc) =	sbr.ind lr, $3  }
0x3a: {  	_ = 	snop  }
0x3b: {  	_ = 	snop  }
0x3c: {  	p2 =	seq.s32 s10, $0x1;
	s10 =	sld [smem:$0x3FAF]  }
0x3d: {  	_ =	shalt  }
0x3e: {  	_ =	shalt  }
0x3f: {  	_ =	shalt  }
0x40: {  	_ =	shalt  }
0x41: {  	_ =	shalt  }
0x42: {  	_ =	shalt  }
0x43: {  	_ =	shalt  }
0x44: {  	_ =	shalt  }
0x45: {  	_ =	shalt  }
0x46: {  	_ =	shalt  }
0x47: {  	_ =	shalt  }
0x48: {  	_ =	shalt  }
0x49: {  	_ =	shalt  }
0x4a: {  	_ =	shalt  }
0x4b: {  	_ =	shalt  }
0x4c: {  	_ =	shalt  }
0x4d: {  	_ =	shalt  }
0x4e: {  	_ =	shalt  }
0x4f: {  	_ =	shalt  }
0x50: {  	_ =	shalt  }
0x51: {  	_ =	shalt  }
0x52: {  	_ =	shalt  }
0x53: {  	_ =	shalt  }
0x54: {  	_ =	shalt  }
0x55: {  	_ =	shalt  }
0x56: {  	_ =	shalt  }
0x57: {  	_ =	shalt  }
0x58: {  	_ =	shalt  }
0x59: {  	_ =	shalt  }
0x5a: {  	_ =	shalt  }
0x5b: {  	_ =	shalt  }
0x5c: {  	_ =	shalt  }
0x5d: {  	_ =	shalt  }
0x5e: {  	_ =	shalt  }
0x5f: {  	_ =	shalt  }
0x60: {  	_ =	shalt  }
0x61: {  	_ =	shalt  }
0x62: {  	_ =	shalt  }
0x63: {  	_ =	shalt  }
0x64: {  	_ =	shalt  }
0x65: {  	_ =	shalt  }
0x66: {  	_ =	shalt  }
0x67: {  	_ =	shalt  }
0x68: {  	_ =	shalt  }
0x69: {  	_ =	shalt  }
0x6a: {  	_ =	shalt  }
0x6b: {  	_ =	shalt  }
0x6c: {  	_ =	shalt  }
0x6d: {  	_ =	shalt  }
0x6e: {  	_ =	shalt  }
0x6f: {  	_ =	shalt  }
0x70: {  	_ =	shalt  }
0x71: {  	_ =	shalt  }
0x72: {  	_ =	shalt  }
0x73: {  	_ =	shalt  }
0x74: {  	_ =	shalt  }
0x75: {  	_ =	shalt  }
0x76: {  	_ =	shalt  }
0x77: {  	_ =	shalt  }
0x78: {  	_ =	shalt  }
0x79: {  	_ =	shalt  }
0x7a: {  	_ =	shalt  }
0x7b: {  	_ =	shalt  }
0x7c: {  	_ =	shalt  }
0x7d: {  	_ =	shalt  }
0x7e: {  	_ =	shalt  }
0x7f: {  	_ =	shalt  }
0x80: {  	_ =	shalt  }
0x81: {  	_ =	shalt  }
0x82: {  	_ =	shalt  }
0x83: {  	_ =	shalt  }
0x84: {  	_ =	shalt  }
0x85: {  	_ =	shalt  }
0x86: {  	_ =	shalt  }
0x87: {  	_ =	shalt  }
.Lfunc_end0:
.L_simem_size_0:
called_computation_lowered:
.L_overlay_start_0:
0x88: {  	s2 =	sld [smem:$0x3FD9]  }
0x89: {  	s3 =	sld [smem:$0x3FFE];
	_ =	sdelay $0x1  }
0x8a: {  	s1 =	srdreg.scid  }
0x8b: {  	s0 =	sand.u32 $0x1, s1  }
0x8c: {  	s15 =	sshll.u32 s0, $0xA;
	s2 =	sadd.s32 s3, s2  }
0x8d: {  	s2 =	sadd.s32 s2, s15  }
0x8e: {  	[smem:$0x3FBB] =	sst s2  }
0x8f: {  	_ = 	snop  }
0x90: {  	s2 =	sld [smem:$0x3FD0];
	_ =	sdelay $0x2  }
0x91: {  	s4 =	simm.s32 $0xB;
	s16 =	simm.s32 $0x10  }
0x92: {  	[smem:s16], [sflag:s4] =	dma.local [hbm:s2], $0x1  }
0x93: {  	_ =	swait.eq [sflag:s4], $0x1  }
0x94: {  	[sflag:s4] =	ssyncset.done $0x0  }
0x95: {  	s17 =	sld [smem:$0x10];
	[sflag:s4] =	ssyncadd.s32 $0xFFFFFFFF  }
0x96: {  	s18 =	sld [smem:$0x11];
	(tm) =	ssettm $0x1  }
0x97: {  	s19 =	sld [smem:$0x3FFB];
	_ =	sdelay $0x3  }
0x98: {  	_ =	strace s19  }
0x99: {  	s2 =	sld [smem:$0x3FFC];
	_ =	sdelay $0x3  }
0x9a: {  	_ =	strace s2  }
0x9b: {  	s2 =	sld [smem:$0x3FFD];
	_ =	sdelay $0x3  }
0x9c: {  	_ =	strace s2  }
0x9d: {  	_ =	strace $0x8FFFFFFF  }
0x9e: {  	s20 =	sld [smem:$0x3FDB];
	_ =	sdelay $0x1  }
0x9f: {  	s5 =	simm.s32 $_scs_section_size  }
0xa0: {  	s6 =	simm.s32 $_size__tile_overlayer_lowered;
	s7 =	simm.s32 $_tile_overlayer_lowered  }
0xa1: {  	s8 =	simm.s32 $0x1BFF;
	s21 =	sshll.u32 s7, $0x1;
	s5 =	sadd.s32 s5, s20  }
0xa2: {  	s22 =	simm.s32 $0x0;
	s6 =	sshll.u32 s6, $0x1;
	s7 =	sadd.s32 s21, s5  }
0xa3: {  	[timem:s22], [sflag:s8] =	dma.local [hbm:s7], s6  }
0xa4: {  	_ =	swait.ge [sflag:s8], s6  }
0xa5: {  	s6 =	ssub.s32 $0x0, s6;
	[sflag:s8] =	ssyncset.done $0x0  }
0xa6: {  	[sflag:s8] =	ssyncadd.s32 s6;
	_ =	sdelay $0x1  }
0xa7: {  	s23 =	simm.s32 $0x1B8B  }
0xa8: {  	_ =	swait.ge [sflag:s23], $0x1  }
0xa9: {  	[sflag:s23] =	ssyncset.done $0x0  }
0xaa: {  	[sflag:s23] =	ssyncadd.s32 $0xFFFFFFFF  }
0xab: {  	s6 =	sld [smem:$0x0]  }
0xac: {  	s7 =	sand.u32 $0xFFFFFFFE, s1  }
0xad: {  	p0 =	sne.s32 s1, s7  }
0xae: {  	s7 =	sshll.u32 @p0 s7, $0xE  }
0xaf: {  	s7 =	sadd.s32 @p0 $0x11B8D, s7;
	s8 =	sshll.u32 @p0 s6, $0x11  }
0xb0: {  	s7 =	sor.u32 @p0 s8, s7  }
0xb1: {  	[sflag:s7] =	ssyncadd.remote.s32 @p0 $0x1;
	_ =	sdelay $0x1  }
0xb2: {  	s7 =	simm.s32 @p0 $0x1B8D  }
0xb3: {  	_ =	swait.eq @p0 [sflag:s7], $0x1  }
0xb4: {  	[sflag:s7] =	ssyncadd.s32 @p0 $0xFFFFFFFF  }
0xb5: {  	s8 =	sshll.u32 @!p0 s1, $0xE  }
0xb6: {  	s8 =	sor.u32 @!p0 $0x4000, s8;
	s7 =	simm.s32 @!p0 $0x1B8D  }
0xb7: {  	s6 =	sshll.u32 @!p0 s6, $0x11;
	s8 =	sadd.s32 @!p0 $0x11B8D, s8;
	_ =	swait.eq @!p0 [sflag:s7], $0x1  }
0xb8: {  	s6 =	sor.u32 @!p0 s6, s8;
	[sflag:s7] =	ssyncadd.s32 @!p0 $0xFFFFFFFF  }
0xb9: {  	s25 =	simm.s32 $0x1B8E;
	s24 =	sld [smem:$0x3FFE];
	[sflag:s6] =	ssyncadd.remote.s32 @!p0 $0x1  }
0xba: {  	s26 =	simm.s32 $execute0_lowered;
	[smem:$0x3FD2] =	sst s25  }
0xbb: {  	s7 =	sshll.u32 s26, $0x1;
	_ =	strace $0x8000004C;
	[dreg:$0x1] =	wrdreg $0xFFFFFFFF  }
0xbc: {  	s28 =	simm.s32 $_size_execute0_lowered;
	s5 =	sadd.s32 s5, s7;
	[dreg:$0x0] =	wrdreg $0x0  }
0xbd: {  	s7 =	sshll.u32 s28, $0x1;
	[dreg:$0x2] =	wrdreg s5  }
0xbe: {  	[dreg:$0x3] =	wrdreg s7  }
0xbf: {  	[dreg:$0x4] =	wrdreg $0xC0  }
0xc0: {  	_ =	task [dreg:s22], $0x5FFFF  }
0xc1: {  	[dreg:$0x1] =	wrdreg $0xFFFFFFFF  }
0xc2: {  	[dreg:$0x0] =	wrdreg $0x60  }
0xc3: {  	[dreg:$0x2] =	wrdreg s24  }
0xc4: {  	[dreg:$0x3] =	wrdreg s18  }
0xc5: {  	[dreg:$0x4] =	wrdreg s17  }
0xc6: {  	[dreg:$0x5] =	wrdreg $0x9  }
0xc7: {  	_ =	task.clear_ibuf [dreg:s22], $0x6FFFF;
	_ =	strace $0x9000004C  }
0xc8: {  	s29 =	simm.s32 $0x9;
	_ =	strace $0x8000004E  }
0xc9: {  	_ =	swait.ge [sflag:s29], $0x1  }
0xca: {  	[sflag:s29] =	ssyncadd.s32 $0xFFFFFFFF  }
0xcb: {  	_ =	strace $0x9000004E  }
0xcc: {  	_ =	sfence  }
0xcd: {  	s30 =	sld [smem:$0x0];
	_ =	sdelay $0x2  }
0xce: {  	s31 =	sshll.u32 s1, $0xD;
	s1 =	sshrl.u32 s1, $0x2  }
0xcf: {  	s4 =	sand.u32 $0x4000, s31;
	s1 =	sadd.s32 s1, s30  }
0xd0: {  	s0 =	sor.u32 s4, s0;
	s1 =	sshll.u32 s1, $0x11  }
0xd1: {  	s0 =	sor.u32 s1, s0  }
0xd2: {  	s0 =	sadd.s32 $0x8F2B, s0  }
0xd3: {  	[sflag:s0] =	ssyncadd.remote.s32 $0x1  }
0xd4: {  	_ =	sfence.sel $0xFFFF  }
0xd5: {  	[dreg:$0x0] =	wrdreg $0xFFFFFFFF;
	(pc) =	sbr.abs _section_cstart, $3  }
0xd6: {  	[dreg:$0x1] =	wrdreg $0xFFFFFFFF  }
0xd7: {  	_ =	task.clear_ibuf [dreg:s22], $0x2FFFF;
	_ =	strace $0x9FFFFFFF  }
0xd8: {  	(tm) =	ssettm $0x7FFFFFFF  }
0xd9: {  	_ =	shalt  }
tec
execute0_lowered:
.L_overlay_start_1:
0x0: {  	(tag) =	ssettag $0x1  }
0x1: {  	s7 =	rddreg [dreg:$0x0]  }
0x2: {  	s2 =	rddreg [dreg:$0x1]  }
0x3: {  	s3 =	rddreg [dreg:$0x2]  }
0x4: {  	s0 =	rddreg [dreg:$0x3];
	s1 =	srdreg.scid;
	_ =	strace $0x8000004D  }
0x5: {  	s4 =	simm.s32 $0x1;
	s9 =	simm.s32 $0x3;
	s5 =	sshll.u32 s1, $0x4  }
.Ltmp0:
0x6: {  	s1 =	stileid.u32;
	s5 =	sand.u32 $0x10, s5;
	(pc) =	sbr.rel .LBB2_1-.Ltmp0, $4  }
0x7: {  	s11 =	simm.s32 $0x0;
	p0 =	por $0x0, $0x0;
	s6 =	sor.u32 s1, s5  }
0x8: {  	[sflag:s4] =	ssyncpa.u1 $0x0;
	s5 =	simm.s32 $0x2;
	s6 =	sshll.u32 s6, $0x6  }
0x9: {  	s7 =	sadd.s32 $0x40400, s7;
	[sflag:s5] =	ssyncpa.u1 $0x0;
	s8 =	sadd.s32 $0x40, s6  }
0xa: {  	vm0 =	vmmov $0xff;
	vm1 =	vcmask $0x3F20;
	[sflag:s9] =	ssyncpa.u1 $0x0;
	s10 =	smov.u32 s6;
	s9 =	simm.s32 $0x0  }
.LBB2_9:
0xb: {  	p1 =	slt.u32 s9, $0x2;
	s11 =	sadd.s32 $0x20, s10  }
0xc: {  	s13 =	smov.u32 s6;
	s9 =	sadd.s32 $0x1, s9;
	p2 =	slt.s32 s11, s8  }
0xd: {  	s13 =	smov.u32 @p2 s11;
	p2 =	sne.s32 s9, $0x4  }
.Ltmp1:
0xe: {  	_ = 	snop;
	(pc) =	sbr.rel @!p2 .LBB2_10-.Ltmp1, $4  }
0xf: {  	s12 =	simm.s32 @!p1 $0x3  }
0x10: {  	_ =	swait.ge @!p1 [sflag:s12], $0x8000  }
0x11: {  	p0 =	por !p0, !p0;
	[sflag:s12] =	ssyncset.done @!p1 $0x0  }
0x12: {  	s11 =	smov.u32 s10;
	s10 =	smov.u32 s13;
	[sflag:s12] =	ssyncadd.s32 @!p1 $0xFFFF8000  }
.LBB2_1:
0x13: {  	p1 =	sgt.u32 s9, $0x1  }
0x14: {  	s12 =	sshll.u32 @!p1 s9, $0x5;
	s13 =	sshrl.u32 @!p1 s10, $0x3  }
0x15: {  	s14 =	sand.u32 @!p1 $0x7, s10;
	s12 =	sxor.u32 @!p1 $0x20, s12;
	s13 =	sadd.s32 @!p1 s2, s13  }
0x16: {  	[tilespmem:s12], [sflag:$0x2] =	stream.linear.gather @!p1 [hbm4b:s13+s14], $0x20, $0x38;
	[tilespmem:$0x10040] =	vst v63  }
0x17: {  	p1 =	seq.s32 s9, $0x0  }
0x18: {  	p2 =	seq.s32 @!p1 s9, $0x3  }
0x19: {  	p1 =	por p1, p2  }
.Ltmp2:
0x1a: {  	_ = 	snop;
	(pc) =	sbr.rel @p1 .LBB2_9-.Ltmp2, $1  }
0x1b: {  	_ =	sdelay $0x3  }
0x1c: {  	s12 =	simm.s32 $0x1  }
0x1d: {  	_ =	swait.ge [sflag:s5], $0x20;
	s13 =	sand.u32 $0x1, s9;
	s12 =	simm.s32 @!p0 $0x0  }
0x1e: {  	s15 =	simm.s32 $0x0;
	p2 =	por $0x1, $0x1;
	s12 =	sshll.u32 s12, $0x11  }
0x1f: {  	[sflag:s5] =	ssyncset.done $0x0;
	s13 =	sshll.u32 s13, $0x5;
	s14 =	sshrl.u32 s12, $0x2  }
0x20: {  	[sflag:s5] =	ssyncadd.s32 $0xFFFFFFE0;
	s12 =	sor.u32 $0x40, s14;
	s14 =	sadd.s32 $0x40, s14  }
.LBB2_3:
0x21: {  	s16 =	sshll.u32 s15, $0x4  }
0x22: {  	s16 =	sand.u32 $0x3FFFFFF0, s16  }
0x23: {  	s16 =	sadd.s32 s16, s13  }
0x24: {  	v0 =	vld.msk [tilespmem:s16+$0x0 ss:$0x1], $0xffff;
	_ =	sdelay $0x4  }
0x25: {  	vm2 =	vgt.s32 v0, $0x0  }
0x26: {  	v0 =	vnsel vm2, $0x0, v0  }
0x27: {  	v0 =	vmin.u32 v0, $0x13FF  }
0x28: {  	v1 =	vshll.u32 v0, $0x7;
	v0 =	vshll.u32 v0, $0x4  }
0x29: {  	v1 =	vand.u32 $0xFFC00, v1;
	v0 =	vand.u32 $0x70, v0  }
0x2a: {  	v0 =	vor.u32 v0, v1  }
0x2b: {  	s31 =	sshll.u32 s15, $0x10  }
0x2c: {  	s15 =	sshra.s32 s31, $0x2  }
0x2d: {  	s15 =	sadd.s32 s15, s14  }
0x2e: {  	s17 =	sadd.s32 $0x0, s15  }
0x2f: {  	[tilespmem:s17], [sflag:$0x1] =	stream.indirect_vreg.gather [hbm:s7], $0x80, v0, vm0, $0x38;
	[tilespmem:$0x10040] =	vst v63  }
0x30: {  	p1 =	por p2, p2;
	s16 =	simm.s32 $0x1000;
	v1 =	vadd.s32 $0x80, v0;
	s17 =	sadd.s32 $0x2000, s17  }
.LBB2_4:
0x31: {  	[tilespmem:s17], [sflag:$0x1] =	stream.indirect_vreg.gather [hbm:s7], $0x80, v0, vm1, $0x38;
	[tilespmem:$0x10040] =	vst v63  }
0x32: {  	v0 =	vmov v1;
	s17 =	smov.u32 s16;
	p2 =	sne.s32 s16, $0x7000  }
.Ltmp3:
0x33: {  	s16 =	sadd.s32 $0x1000, s16;
	(pc) =	sbr.rel @p2 .LBB2_4-.Ltmp3, $4  }
0x34: {  	s17 =	sshra.s32 s17, $0x2  }
0x35: {  	s17 =	sadd.s32 s17, s15  }
0x36: {  	[tilespmem:s17], [sflag:$0x1] =	stream.indirect_vreg.gather [hbm:s7], $0x80, v1, vm0, $0x38;
	[tilespmem:$0x10040] =	vst v63  }
0x37: {  	s17 =	sadd.s32 $0x2000, s17;
	v1 =	vadd.s32 $0x80, v1  }
0x38: {  	_ = 	snop  }
.Ltmp4:
0x39: {  	_ = 	snop;
	(pc) =	sbr.rel @p1 .LBB2_3-.Ltmp4, $3  }
0x3a: {  	_ =	sdelay $0x1  }
0x3b: {  	[tilespmem:s17], [sflag:$0x1] =	stream.indirect_vreg.gather [hbm:s7], $0x80, v0, vm1, $0x38;
	[tilespmem:$0x10040] =	vst v63  }
0x3c: {  	s15 =	simm.s32 $0x1;
	p2 =	por $0x0, $0x0  }
0x3d: {  	s13 =	sshll.u32 s11, $0x7  }
0x3e: {  	s31 =	sshll.u32 s11, $0x4;
	s13 =	sand.u32 $0xFFFFFC00, s13  }
0x3f: {  	_ =	swait.ge [sflag:s4], $0x8000;
	s11 =	sand.u32 $0x70, s31;
	s13 =	sadd.s32 s13, s3  }
0x40: {  	s14 =	sadd.s32 $0x2000, s12;
	[sflag:s4] =	ssyncset.done $0x0;
	s11 =	sadd.s32 s11, s13  }
0x41: {  	[sflag:s4] =	ssyncadd.s32 $0xFFFF8000;
	s13 =	simm.s32 $0x400;
	s15 =	sadd.s32 $0x0, s11  }
.LBB2_7:
0x42: {  	[hbm:s15] =	stream.linear.scatter [tilespmem:s12], [sflag:$0x3], $0x2000, $0x38;
	[tilespmem:$0x10040] =	vst v63  }
0x43: {  	s15 =	smov.u32 s13;
	s12 =	smov.u32 s14;
	p1 =	sne.s32 s13, $0xC00  }
.Ltmp5:
0x44: {  	s13 =	sadd.s32 $0x400, s13;
	(pc) =	sbr.rel @p1 .LBB2_7-.Ltmp5, $2  }
0x45: {  	_ =	sdelay $0x2  }
0x46: {  	s14 =	sadd.s32 $0x2000, s14;
	s15 =	sadd.s32 s15, s11  }
.Ltmp6:
0x47: {  	(pc) =	sbr.rel .LBB2_9-.Ltmp6, $2  }
0x48: {  	_ =	sdelay $0x2  }
0x49: {  	[hbm:s15] =	stream.linear.scatter [tilespmem:s12], [sflag:$0x3], $0x2000, $0x38;
	[tilespmem:$0x10040] =	vst v63  }
.LBB2_10:
0x4a: {  	_ =	sfence.sel $0x180000  }
0x4b: {  	s2 =	simm.s32 $0x2;
	[bflag:$0x0] =	sbarrier.arrive $0xFFFF  }
0x4c: {  	s30 =	simm.s32 $0x3;
	[sflag:s2] =	ssyncpa.u1 $0x1  }
0x4d: {  	s31 =	simm.s32 $0x1;
	[sflag:s30] =	ssyncpa.u1 $0x1  }
0x4e: {  	[sflag:s31] =	ssyncpa.u1 $0x1  }
0x4f: {  	p0 =	sne.s32 s1, $0x0;
	_ =	strace $0x9000004D  }
0x50: {  	s0 =	sadd.s32 @!p0 $0x100000, s0;
	[bflag:$0x2] =	sbarrier.arrive $0xFFFF  }
0x51: {  	[sflag:s0] =	ssyncadd.tile.s32 @!p0 $0x1;
	_ =	shalt  }
.Lfunc_end2:
_tile_overlayer_lowered:
.L_overlay_start_2:
0x52: {  	(tag) =	ssettag $0x2  }
0x53: {  	s0 =	rddreg [dreg:$0x0];
	s2 =	stileid.u32  }
0x54: {  	s1 =	rddreg [dreg:$0x1];
	p0 =	sne.s32 s2, $0x0  }
0x55: {  	s3 =	rddreg [dreg:$0x2];
	[bflag:$0x3] =	sbarrier.arrive $0xFFFF;
	s2 =	simm.s32 @!p0 $0x1C01  }
0x56: {  	[timem:s3], [sflag:s2] =	dma.local @!p0 [hbm:s0], s1  }
0x57: {  	s0 =	simm.s32 @!p0 $0x1  }
0x58: {  	_ =	swait.ge @!p0 [sflag:s0], s1  }
0x59: {  	s1 =	ssub.s32 @!p0 $0x0, s1;
	[sflag:s0] =	ssyncset.done @!p0 $0x0  }
0x5a: {  	[sflag:s0] =	ssyncadd.s32 @!p0 s1  }
0x5b: {  	[bflag:$0x3] =	sbarrier.arrive $0xFFFF  }
0x5c: {  	_ =	shalt  }

</sc_bundles>
